<compile_context>
chip_gen: v7x
topology: tpu7x:2x2x1
jax: 0.10.2.dev20260603
libtpu: 0.0.44.dev20260713+nightly
codegen_flags: <defaults>
</compile_context>

<pallas_src>
import functools

import jax
import jax.numpy as jnp
from jax import lax
from jax.experimental import pallas as pl
from jax.experimental.pallas import tpu as pltpu
from jax.experimental.pallas import tpu_sc as plsc

_NC = 2
_NS = 16
_NW = _NC * _NS
_LANES = 16


@functools.partial(jax.jit, static_argnums=(3, 4))
def _center_loss_partials(targets, features, centers, bpw, d):
    mesh = plsc.VectorSubcoreMesh(core_axis_name="c", subcore_axis_name="s")

    @functools.partial(
        pl.kernel,
        mesh=mesh,
        out_type=jax.ShapeDtypeStruct((_NW, _LANES), jnp.float32),
        scratch_types=[
            pltpu.VMEM((bpw,), jnp.int32),
            pltpu.VMEM((bpw // 8, 8, d), jnp.float32),
            pltpu.VMEM((bpw * d,), jnp.float32),
            pltpu.VMEM((_LANES,), jnp.float32),
            pltpu.SemaphoreType.DMA,
        ],
        compiler_params=pltpu.CompilerParams(use_tc_tiling_on_sc=True),
    )
    def k(targets_hbm, feats_hbm, centers_hbm, out_hbm,
          idx_v, rows_v, feats_v, acc_v, sem):
        wid = lax.axis_index("s") * _NC + lax.axis_index("c")
        base = wid * bpw
        pltpu.sync_copy(targets_hbm.at[pl.ds(base, bpw)], idx_v)

        def fire(g, carry):
            tv = idx_v[pl.ds(g * _LANES, _LANES)]
            qv = jax.lax.shift_right_logical(tv, 3)
            sv = tv & 7
            for j in range(_LANES):
                i = g * _LANES + j
                pltpu.async_copy(centers_hbm.at[qv[j], sv[j]],
                                 rows_v.at[lax.shift_right_logical(i, 3),
                                           i & 7], sem)
            return carry

        lax.fori_loop(0, bpw // _LANES, fire, 0)
        pltpu.sync_copy(feats_hbm.at[pl.ds(base * d, bpw * d)], feats_v)
        pltpu.make_async_copy(centers_hbm.at[pl.ds(0, bpw // 8)],
                              rows_v, sem).wait()

        vregs_per_row = d // _LANES

        def row_body(r, acc):
            for c in range(vregs_per_row):
                f = feats_v[pl.ds(r * d + c * _LANES, _LANES)]
                g = rows_v[lax.shift_right_logical(r, 3), r & 7,
                           pl.ds(c * _LANES, _LANES)]
                dd = f - g
                acc = acc + dd * dd
            return acc

        acc = lax.fori_loop(0, bpw, row_body,
                            jnp.zeros((_LANES,), jnp.float32))
        acc_v[...] = acc
        pltpu.sync_copy(acc_v, out_hbm.at[wid])

    return k(targets, features, centers)


def kernel(features, targets, centers):
    b, d = features.shape
    bpw = b // _NW
    n = centers.shape[0]
    centers3 = centers.reshape(n // 8, 8, d)
    partials = _center_loss_partials(targets.astype(jnp.int32),
                                     features.reshape(b * d),
                                     centers3, bpw, d)
    return jnp.sum(partials) / jnp.float32(b * d)

# --- scband reference (transcript-rebuilt; emitter-appended) ---
"""Pipeline reference for scband-center-loss-77910706749800 (READ-ONLY COPY).

The authoritative reference and input builder live on the scoring server;
editing this copy changes nothing except your own understanding.
"""

import jax, jax.numpy as jnp
import numpy as np

NUM_CLASSES = 1000000
FEATURE_DIM = 64
BATCH = 16384

def setup_inputs(seed: int = 0) -> dict:
    key = jax.random.key(seed)
    k1, k2, k3 = jax.random.split(key, 3)
    features = jax.random.normal(k1, (BATCH, FEATURE_DIM), dtype=jnp.float32)
    targets = jax.random.randint(k2, (BATCH,), 0, NUM_CLASSES, dtype=jnp.int64)
    # learned parameter: centers initialized like torch.rand (uniform [0,1))
    centers = jax.random.uniform(k3, (NUM_CLASSES, FEATURE_DIM), dtype=jnp.float32)
    return {"features": features, "targets": targets, "centers": centers}

def reference(features, targets, centers):
    # target_centers = self.centers[targets]  -> gather (embedding lookup)
    target_centers = jnp.take(centers, targets, axis=0)
    # MSELoss with default reduction='mean'
    center_loss = jnp.mean((features - target_centers) ** 2)
    return center_loss

if __name__ == "__main__":
    import jax
    _d = setup_inputs()
    print(jax.jit(kernel)(*tuple(_d.values())))

</pallas_src>

<mosaic_0001>
#map = affine_map<(d0, d1) -> (0)>
#map1 = affine_map<(d0, d1) -> (0, 0, 0)>
#map2 = affine_map<(d0, d1) -> (0, 0)>
module attributes {stable_mosaic.version = 14 : i64} {
  func.func @k(%arg0: i32, %arg1: i32, %arg2: memref<16384xi32, #tpu.memory_space<hbm>>, %arg3: memref<1048576xf32, #tpu.memory_space<hbm>>, %arg4: memref<125000x8x64xf32, #tpu.memory_space<hbm>>, %arg5: memref<32x16xf32, #tpu.memory_space<hbm>>, %arg6: memref<512xi32, #tpu.memory_space<vmem>>, %arg7: memref<64x8x64xf32, #tpu.memory_space<vmem>>, %arg8: memref<32768xf32, #tpu.memory_space<vmem>>, %arg9: memref<16xf32, #tpu.memory_space<vmem>>, %arg10: memref<!tpu.dma_semaphore, #tpu.memory_space<semaphore_mem>>) attributes {dimension_semantics = [#tpu.dimension_semantics<core_parallel>, #tpu.dimension_semantics<subcore_parallel>], iteration_bounds = array<i64: 2, 16>, scalar_prefetch = 0 : i64, scratch_operands = 5 : i64, tpu.core_type = #tpu.core_type<sc_vector_subcore>, window_params = [{transform_indices = #map}, {transform_indices = #map}, {transform_indices = #map1}, {transform_indices = #map2}]} {
    %mul3A = arith.constant 2 : i32
    %mul3A_0 = arith.muli %arg1, %mul3A : i32
    %add3A = arith.addi %mul3A_0, %arg0 : i32
    %mul3A_1 = arith.constant 512 : i32
    %mul3A_2 = arith.muli %add3A, %mul3A_1 : i32
    "tpu.region"() ({
      %run_scoped3A = tpu.sem_alloc : memref<!tpu.dma_semaphore, #tpu.memory_space<semaphore_mem>>
      %dma_start3A = tpu.memref_slice %arg2[%mul3A_2] : memref<16384xi32, #tpu.memory_space<hbm>> -> memref<512xi32, #tpu.memory_space<hbm>>
      %dma_start3A_27 = tpu.memref_slice %arg2[%mul3A_2] : memref<16384xi32, #tpu.memory_space<hbm>> -> memref<512xi32, #tpu.memory_space<hbm>>
      tpu.enqueue_dma source(%dma_start3A_27 : memref<512xi32, #tpu.memory_space<hbm>>) target(%arg6 : memref<512xi32, #tpu.memory_space<vmem>>) target_semaphore(%run_scoped3A : memref<!tpu.dma_semaphore, #tpu.memory_space<semaphore_mem>>)
      %dma_wait3A_28 = tpu.memref_slice %arg2[%mul3A_2] : memref<16384xi32, #tpu.memory_space<hbm>> -> memref<512xi32, #tpu.memory_space<hbm>>
      %dma_wait3A_29 = tpu.memref_slice %arg2[%mul3A_2] : memref<16384xi32, #tpu.memory_space<hbm>> -> memref<512xi32, #tpu.memory_space<hbm>>
      tpu.wait_dma2 semaphore(%run_scoped3A : memref<!tpu.dma_semaphore, #tpu.memory_space<semaphore_mem>>) src(%dma_wait3A_29 : memref<512xi32, #tpu.memory_space<hbm>>) dst(%arg6 : memref<512xi32, #tpu.memory_space<vmem>>)
      tpu.yield
    }) : () -> ()
    %scan3A = arith.constant 0 : i32
    %scan3A_3 = arith.constant 0 : i32
    %scan3A_4 = arith.constant 32 : i32
    %scan3A_5 = arith.addi %scan3A_3, %scan3A_4 : i32
    %scan3A_6 = arith.constant 1 : i32
    scf.for %scan3A_27 = %scan3A_3 to %scan3A_5 step %scan3A_6  : i32 {
      %mul3A_28 = arith.constant 16 : i32
      %mul3A_29 = arith.muli %scan3A_27, %mul3A_28 : i32
      %get3A = arith.index_cast %mul3A_29 : i32 to index
      %get3A_30 = tpu.vector_load %arg6[%get3A] {strides = array<i32>} : memref<512xi32, #tpu.memory_space<vmem>>, vector<16xi32>,
      %get3A_31 = vector.shape_cast %get3A_30 : vector<16xi32> to vector<16xi32>
      %shift_right_logical3A = arith.constant 3 : i32
      %shift_right_logical3A_32 = vector.broadcast %shift_right_logical3A : i32 to vector<16xi32>
      %shift_right_logical3A_33 = arith.shrui %get3A_31, %shift_right_logical3A_32 : vector<16xi32>
      %and3A = arith.constant 7 : i32
      %and3A_34 = vector.broadcast %and3A : i32 to vector<16xi32>
      %and3A_35 = arith.andi %get3A_31, %and3A_34 : vector<16xi32>
      %mul3A_36 = arith.constant 16 : i32
      %mul3A_37 = arith.muli %scan3A_27, %mul3A_36 : i32
      %add3A_38 = arith.constant 0 : i32
      %add3A_39 = arith.addi %mul3A_37, %add3A_38 : i32
      %slice3A = vector.extract_strided_slice %shift_right_logical3A_33 {offsets = [0], sizes = [1], strides = [1]} : vector<16xi32> to vector<1xi32>
      %squeeze3A = vector.extract %slice3A[0] : i32 from vector<1xi32>
      %slice3A_40 = vector.extract_strided_slice %and3A_35 {offsets = [0], sizes = [1], strides = [1]} : vector<16xi32> to vector<1xi32>
      %squeeze3A_41 = vector.extract %slice3A_40[0] : i32 from vector<1xi32>
      %shift_right_logical3A_42 = arith.constant 3 : i32
      %shift_right_logical3A_43 = arith.shrui %add3A_39, %shift_right_logical3A_42 : i32
      %and3A_44 = arith.constant 7 : i32
      %and3A_45 = arith.andi %add3A_39, %and3A_44 : i32
      %dma_start3A = arith.constant 0 : i32
      %dma_start3A_46 = tpu.memref_slice %arg7[%shift_right_logical3A_43, %and3A_45, %dma_start3A] : memref<64x8x64xf32, #tpu.memory_space<vmem>> -> memref<1x1x64xf32, #tpu.memory_space<vmem>>
      %dma_start3A_47 = tpu.memref_squeeze %dma_start3A_46 : memref<1x1x64xf32, #tpu.memory_space<vmem>> -> memref<64xf32, #tpu.memory_space<vmem>>
      %dma_start3A_48 = arith.constant 0 : i32
      %dma_start3A_49 = tpu.memref_slice %arg4[%squeeze3A, %squeeze3A_41, %dma_start3A_48] : memref<125000x8x64xf32, #tpu.memory_space<hbm>> -> memref<1x1x64xf32, #tpu.memory_space<hbm>>
      %dma_start3A_50 = tpu.memref_squeeze %dma_start3A_49 : memref<1x1x64xf32, #tpu.memory_space<hbm>> -> memref<64xf32, #tpu.memory_space<hbm>>
      %dma_start3A_51 = arith.constant 0 : i32
      %dma_start3A_52 = tpu.memref_slice %arg7[%shift_right_logical3A_43, %and3A_45, %dma_start3A_51] : memref<64x8x64xf32, #tpu.memory_space<vmem>> -> memref<1x1x64xf32, #tpu.memory_space<vmem>>
      %dma_start3A_53 = tpu.memref_squeeze %dma_start3A_52 : memref<1x1x64xf32, #tpu.memory_space<vmem>> -> memref<64xf32, #tpu.memory_space<vmem>>
      %dma_start3A_54 = arith.constant 0 : i32
      %dma_start3A_55 = tpu.memref_slice %arg4[%squeeze3A, %squeeze3A_41, %dma_start3A_54] : memref<125000x8x64xf32, #tpu.memory_space<hbm>> -> memref<1x1x64xf32, #tpu.memory_space<hbm>>
      %dma_start3A_56 = tpu.memref_squeeze %dma_start3A_55 : memref<1x1x64xf32, #tpu.memory_space<hbm>> -> memref<64xf32, #tpu.memory_space<hbm>>
      tpu.enqueue_dma source(%dma_start3A_56 : memref<64xf32, #tpu.memory_space<hbm>>) target(%dma_start3A_53 : memref<64xf32, #tpu.memory_space<vmem>>) target_semaphore(%arg10 : memref<!tpu.dma_semaphore, #tpu.memory_space<semaphore_mem>>)
      %mul3A_57 = arith.constant 16 : i32
      %mul3A_58 = arith.muli %scan3A_27, %mul3A_57 : i32
      %add3A_59 = arith.constant 1 : i32
      %add3A_60 = arith.addi %mul3A_58, %add3A_59 : i32
      %slice3A_61 = vector.extract_strided_slice %shift_right_logical3A_33 {offsets = [1], sizes = [1], strides = [1]} : vector<16xi32> to vector<1xi32>
      %squeeze3A_62 = vector.extract %slice3A_61[0] : i32 from vector<1xi32>
      %slice3A_63 = vector.extract_strided_slice %and3A_35 {offsets = [1], sizes = [1], strides = [1]} : vector<16xi32> to vector<1xi32>
      %squeeze3A_64 = vector.extract %slice3A_63[0] : i32 from vector<1xi32>
      %shift_right_logical3A_65 = arith.constant 3 : i32
      %shift_right_logical3A_66 = arith.shrui %add3A_60, %shift_right_logical3A_65 : i32
      %and3A_67 = arith.constant 7 : i32
      %and3A_68 = arith.andi %add3A_60, %and3A_67 : i32
      %dma_start3A_69 = arith.constant 0 : i32
      %dma_start3A_70 = tpu.memref_slice %arg7[%shift_right_logical3A_66, %and3A_68, %dma_start3A_69] : memref<64x8x64xf32, #tpu.memory_space<vmem>> -> memref<1x1x64xf32, #tpu.memory_space<vmem>>
      %dma_start3A_71 = tpu.memref_squeeze %dma_start3A_70 : memref<1x1x64xf32, #tpu.memory_space<vmem>> -> memref<64xf32, #tpu.memory_space<vmem>>
      %dma_start3A_72 = arith.constant 0 : i32
      %dma_start3A_73 = tpu.memref_slice %arg4[%squeeze3A_62, %squeeze3A_64, %dma_start3A_72] : memref<125000x8x64xf32, #tpu.memory_space<hbm>> -> memref<1x1x64xf32, #tpu.memory_space<hbm>>
      %dma_start3A_74 = tpu.memref_squeeze %dma_start3A_73 : memref<1x1x64xf32, #tpu.memory_space<hbm>> -> memref<64xf32, #tpu.memory_space<hbm>>
      %dma_start3A_75 = arith.constant 0 : i32
      %dma_start3A_76 = tpu.memref_slice %arg7[%shift_right_logical3A_66, %and3A_68, %dma_start3A_75] : memref<64x8x64xf32, #tpu.memory_space<vmem>> -> memref<1x1x64xf32, #tpu.memory_space<vmem>>
      %dma_start3A_77 = tpu.memref_squeeze %dma_start3A_76 : memref<1x1x64xf32, #tpu.memory_space<vmem>> -> memref<64xf32, #tpu.memory_space<vmem>>
      %dma_start3A_78 = arith.constant 0 : i32
      %dma_start3A_79 = tpu.memref_slice %arg4[%squeeze3A_62, %squeeze3A_64, %dma_start3A_78] : memref<125000x8x64xf32, #tpu.memory_space<hbm>> -> memref<1x1x64xf32, #tpu.memory_space<hbm>>
      %dma_start3A_80 = tpu.memref_squeeze %dma_start3A_79 : memref<1x1x64xf32, #tpu.memory_space<hbm>> -> memref<64xf32, #tpu.memory_space<hbm>>
      tpu.enqueue_dma source(%dma_start3A_80 : memref<64xf32, #tpu.memory_space<hbm>>) target(%dma_start3A_77 : memref<64xf32, #tpu.memory_space<vmem>>) target_semaphore(%arg10 : memref<!tpu.dma_semaphore, #tpu.memory_space<semaphore_mem>>)
      %mul3A_81 = arith.constant 16 : i32
      %mul3A_82 = arith.muli %scan3A_27, %mul3A_81 : i32
      %add3A_83 = arith.constant 2 : i32
      %add3A_84 = arith.addi %mul3A_82, %add3A_83 : i32
      %slice3A_85 = vector.extract_strided_slice %shift_right_logical3A_33 {offsets = [2], sizes = [1], strides = [1]} : vector<16xi32> to vector<1xi32>
      %squeeze3A_86 = vector.extract %slice3A_85[0] : i32 from vector<1xi32>
      %slice3A_87 = vector.extract_strided_slice %and3A_35 {offsets = [2], sizes = [1], strides = [1]} : vector<16xi32> to vector<1xi32>
      %squeeze3A_88 = vector.extract %slice3A_87[0] : i32 from vector<1xi32>
      %shift_right_logical3A_89 = arith.constant 3 : i32
      %shift_right_logical3A_90 = arith.shrui %add3A_84, %shift_right_logical3A_89 : i32
      %and3A_91 = arith.constant 7 : i32
      %and3A_92 = arith.andi %add3A_84, %and3A_91 : i32
      %dma_start3A_93 = arith.constant 0 : i32
      %dma_start3A_94 = tpu.memref_slice %arg7[%shift_right_logical3A_90, %and3A_92, %dma_start3A_93] : memref<64x8x64xf32, #tpu.memory_space<vmem>> -> memref<1x1x64xf32, #tpu.memory_space<vmem>>
      %dma_start3A_95 = tpu.memref_squeeze %dma_start3A_94 : memref<1x1x64xf32, #tpu.memory_space<vmem>> -> memref<64xf32, #tpu.memory_space<vmem>>
      %dma_start3A_96 = arith.constant 0 : i32
      %dma_start3A_97 = tpu.memref_slice %arg4[%squeeze3A_86, %squeeze3A_88, %dma_start3A_96] : memref<125000x8x64xf32, #tpu.memory_space<hbm>> -> memref<1x1x64xf32, #tpu.memory_space<hbm>>
      %dma_start3A_98 = tpu.memref_squeeze %dma_start3A_97 : memref<1x1x64xf32, #tpu.memory_space<hbm>> -> memref<64xf32, #tpu.memory_space<hbm>>
      %dma_start3A_99 = arith.constant 0 : i32
      %dma_start3A_100 = tpu.memref_slice %arg7[%shift_right_logical3A_90, %and3A_92, %dma_start3A_99] : memref<64x8x64xf32, #tpu.memory_space<vmem>> -> memref<1x1x64xf32, #tpu.memory_space<vmem>>
      %dma_start3A_101 = tpu.memref_squeeze %dma_start3A_100 : memref<1x1x64xf32, #tpu.memory_space<vmem>> -> memref<64xf32, #tpu.memory_space<vmem>>
      %dma_start3A_102 = arith.constant 0 : i32
      %dma_start3A_103 = tpu.memref_slice %arg4[%squeeze3A_86, %squeeze3A_88, %dma_start3A_102] : memref<125000x8x64xf32, #tpu.memory_space<hbm>> -> memref<1x1x64xf32, #tpu.memory_space<hbm>>
      %dma_start3A_104 = tpu.memref_squeeze %dma_start3A_103 : memref<1x1x64xf32, #tpu.memory_space<hbm>> -> memref<64xf32, #tpu.memory_space<hbm>>
      tpu.enqueue_dma source(%dma_start3A_104 : memref<64xf32, #tpu.memory_space<hbm>>) target(%dma_start3A_101 : memref<64xf32, #tpu.memory_space<vmem>>) target_semaphore(%arg10 : memref<!tpu.dma_semaphore, #tpu.memory_space<semaphore_mem>>)
      %mul3A_105 = arith.constant 16 : i32
      %mul3A_106 = arith.muli %scan3A_27, %mul3A_105 : i32
      %add3A_107 = arith.constant 3 : i32
      %add3A_108 = arith.addi %mul3A_106, %add3A_107 : i32
      %slice3A_109 = vector.extract_strided_slice %shift_right_logical3A_33 {offsets = [3], sizes = [1], strides = [1]} : vector<16xi32> to vector<1xi32>
      %squeeze3A_110 = vector.extract %slice3A_109[0] : i32 from vector<1xi32>
      %slice3A_111 = vector.extract_strided_slice %and3A_35 {offsets = [3], sizes = [1], strides = [1]} : vector<16xi32> to vector<1xi32>
      %squeeze3A_112 = vector.extract %slice3A_111[0] : i32 from vector<1xi32>
      %shift_right_logical3A_113 = arith.constant 3 : i32
      %shift_right_logical3A_114 = arith.shrui %add3A_108, %shift_right_logical3A_113 : i32
      %and3A_115 = arith.constant 7 : i32
      %and3A_116 = arith.andi %add3A_108, %and3A_115 : i32
      %dma_start3A_117 = arith.constant 0 : i32
      %dma_start3A_118 = tpu.memref_slice %arg7[%shift_right_logical3A_114, %and3A_116, %dma_start3A_117] : memref<64x8x64xf32, #tpu.memory_space<vmem>> -> memref<1x1x64xf32, #tpu.memory_space<vmem>>
      %dma_start3A_119 = tpu.memref_squeeze %dma_start3A_118 : memref<1x1x64xf32, #tpu.memory_space<vmem>> -> memref<64xf32, #tpu.memory_space<vmem>>
      %dma_start3A_120 = arith.constant 0 : i32
      %dma_start3A_121 = tpu.memref_slice %arg4[%squeeze3A_110, %squeeze3A_112, %dma_start3A_120] : memref<125000x8x64xf32, #tpu.memory_space<hbm>> -> memref<1x1x64xf32, #tpu.memory_space<hbm>>
      %dma_start3A_122 = tpu.memref_squeeze %dma_start3A_121 : memref<1x1x64xf32, #tpu.memory_space<hbm>> -> memref<64xf32, #tpu.memory_space<hbm>>
      %dma_start3A_123 = arith.constant 0 : i32
      %dma_start3A_124 = tpu.memref_slice %arg7[%shift_right_logical3A_114, %and3A_116, %dma_start3A_123] : memref<64x8x64xf32, #tpu.memory_space<vmem>> -> memref<1x1x64xf32, #tpu.memory_space<vmem>>
      %dma_start3A_125 = tpu.memref_squeeze %dma_start3A_124 : memref<1x1x64xf32, #tpu.memory_space<vmem>> -> memref<64xf32, #tpu.memory_space<vmem>>
      %dma_start3A_126 = arith.constant 0 : i32
      %dma_start3A_127 = tpu.memref_slice %arg4[%squeeze3A_110, %squeeze3A_112, %dma_start3A_126] : memref<125000x8x64xf32, #tpu.memory_space<hbm>> -> memref<1x1x64xf32, #tpu.memory_space<hbm>>
      %dma_start3A_128 = tpu.memref_squeeze %dma_start3A_127 : memref<1x1x64xf32, #tpu.memory_space<hbm>> -> memref<64xf32, #tpu.memory_space<hbm>>
      tpu.enqueue_dma source(%dma_start3A_128 : memref<64xf32, #tpu.memory_space<hbm>>) target(%dma_start3A_125 : memref<64xf32, #tpu.memory_space<vmem>>) target_semaphore(%arg10 : memref<!tpu.dma_semaphore, #tpu.memory_space<semaphore_mem>>)
      %mul3A_129 = arith.constant 16 : i32
      %mul3A_130 = arith.muli %scan3A_27, %mul3A_129 : i32
      %add3A_131 = arith.constant 4 : i32
      %add3A_132 = arith.addi %mul3A_130, %add3A_131 : i32
      %slice3A_133 = vector.extract_strided_slice %shift_right_logical3A_33 {offsets = [4], sizes = [1], strides = [1]} : vector<16xi32> to vector<1xi32>
      %squeeze3A_134 = vector.extract %slice3A_133[0] : i32 from vector<1xi32>
      %slice3A_135 = vector.extract_strided_slice %and3A_35 {offsets = [4], sizes = [1], strides = [1]} : vector<16xi32> to vector<1xi32>
      %squeeze3A_136 = vector.extract %slice3A_135[0] : i32 from vector<1xi32>
      %shift_right_logical3A_137 = arith.constant 3 : i32
      %shift_right_logical3A_138 = arith.shrui %add3A_132, %shift_right_logical3A_137 : i32
      %and3A_139 = arith.constant 7 : i32
      %and3A_140 = arith.andi %add3A_132, %and3A_139 : i32
      %dma_start3A_141 = arith.constant 0 : i32
      %dma_start3A_142 = tpu.memref_slice %arg7[%shift_right_logical3A_138, %and3A_140, %dma_start3A_141] : memref<64x8x64xf32, #tpu.memory_space<vmem>> -> memref<1x1x64xf32, #tpu.memory_space<vmem>>
      %dma_start3A_143 = tpu.memref_squeeze %dma_start3A_142 : memref<1x1x64xf32, #tpu.memory_space<vmem>> -> memref<64xf32, #tpu.memory_space<vmem>>
      %dma_start3A_144 = arith.constant 0 : i32
      %dma_start3A_145 = tpu.memref_slice %arg4[%squeeze3A_134, %squeeze3A_136, %dma_start3A_144] : memref<125000x8x64xf32, #tpu.memory_space<hbm>> -> memref<1x1x64xf32, #tpu.memory_space<hbm>>
      %dma_start3A_146 = tpu.memref_squeeze %dma_start3A_145 : memref<1x1x64xf32, #tpu.memory_space<hbm>> -> memref<64xf32, #tpu.memory_space<hbm>>
      %dma_start3A_147 = arith.constant 0 : i32
      %dma_start3A_148 = tpu.memref_slice %arg7[%shift_right_logical3A_138, %and3A_140, %dma_start3A_147] : memref<64x8x64xf32, #tpu.memory_space<vmem>> -> memref<1x1x64xf32, #tpu.memory_space<vmem>>
      %dma_start3A_149 = tpu.memref_squeeze %dma_start3A_148 : memref<1x1x64xf32, #tpu.memory_space<vmem>> -> memref<64xf32, #tpu.memory_space<vmem>>
      %dma_start3A_150 = arith.constant 0 : i32
      %dma_start3A_151 = tpu.memref_slice %arg4[%squeeze3A_134, %squeeze3A_136, %dma_start3A_150] : memref<125000x8x64xf32, #tpu.memory_space<hbm>> -> memref<1x1x64xf32, #tpu.memory_space<hbm>>
      %dma_start3A_152 = tpu.memref_squeeze %dma_start3A_151 : memref<1x1x64xf32, #tpu.memory_space<hbm>> -> memref<64xf32, #tpu.memory_space<hbm>>
      tpu.enqueue_dma source(%dma_start3A_152 : memref<64xf32, #tpu.memory_space<hbm>>) target(%dma_start3A_149 : memref<64xf32, #tpu.memory_space<vmem>>) target_semaphore(%arg10 : memref<!tpu.dma_semaphore, #tpu.memory_space<semaphore_mem>>)
      %mul3A_153 = arith.constant 16 : i32
      %mul3A_154 = arith.muli %scan3A_27, %mul3A_153 : i32
      %add3A_155 = arith.constant 5 : i32
      %add3A_156 = arith.addi %mul3A_154, %add3A_155 : i32
      %slice3A_157 = vector.extract_strided_slice %shift_right_logical3A_33 {offsets = [5], sizes = [1], strides = [1]} : vector<16xi32> to vector<1xi32>
      %squeeze3A_158 = vector.extract %slice3A_157[0] : i32 from vector<1xi32>
      %slice3A_159 = vector.extract_strided_slice %and3A_35 {offsets = [5], sizes = [1], strides = [1]} : vector<16xi32> to vector<1xi32>
      %squeeze3A_160 = vector.extract %slice3A_159[0] : i32 from vector<1xi32>
      %shift_right_logical3A_161 = arith.constant 3 : i32
      %shift_right_logical3A_162 = arith.shrui %add3A_156, %shift_right_logical3A_161 : i32
      %and3A_163 = arith.constant 7 : i32
      %and3A_164 = arith.andi %add3A_156, %and3A_163 : i32
      %dma_start3A_165 = arith.constant 0 : i32
      %dma_start3A_166 = tpu.memref_slice %arg7[%shift_right_logical3A_162, %and3A_164, %dma_start3A_165] : memref<64x8x64xf32, #tpu.memory_space<vmem>> -> memref<1x1x64xf32, #tpu.memory_space<vmem>>
      %dma_start3A_167 = tpu.memref_squeeze %dma_start3A_166 : memref<1x1x64xf32, #tpu.memory_space<vmem>> -> memref<64xf32, #tpu.memory_space<vmem>>
      %dma_start3A_168 = arith.constant 0 : i32
      %dma_start3A_169 = tpu.memref_slice %arg4[%squeeze3A_158, %squeeze3A_160, %dma_start3A_168] : memref<125000x8x64xf32, #tpu.memory_space<hbm>> -> memref<1x1x64xf32, #tpu.memory_space<hbm>>
      %dma_start3A_170 = tpu.memref_squeeze %dma_start3A_169 : memref<1x1x64xf32, #tpu.memory_space<hbm>> -> memref<64xf32, #tpu.memory_space<hbm>>
      %dma_start3A_171 = arith.constant 0 : i32
      %dma_start3A_172 = tpu.memref_slice %arg7[%shift_right_logical3A_162, %and3A_164, %dma_start3A_171] : memref<64x8x64xf32, #tpu.memory_space<vmem>> -> memref<1x1x64xf32, #tpu.memory_space<vmem>>
      %dma_start3A_173 = tpu.memref_squeeze %dma_start3A_172 : memref<1x1x64xf32, #tpu.memory_space<vmem>> -> memref<64xf32, #tpu.memory_space<vmem>>
      %dma_start3A_174 = arith.constant 0 : i32
      %dma_start3A_175 = tpu.memref_slice %arg4[%squeeze3A_158, %squeeze3A_160, %dma_start3A_174] : memref<125000x8x64xf32, #tpu.memory_space<hbm>> -> memref<1x1x64xf32, #tpu.memory_space<hbm>>
      %dma_start3A_176 = tpu.memref_squeeze %dma_start3A_175 : memref<1x1x64xf32, #tpu.memory_space<hbm>> -> memref<64xf32, #tpu.memory_space<hbm>>
      tpu.enqueue_dma source(%dma_start3A_176 : memref<64xf32, #tpu.memory_space<hbm>>) target(%dma_start3A_173 : memref<64xf32, #tpu.memory_space<vmem>>) target_semaphore(%arg10 : memref<!tpu.dma_semaphore, #tpu.memory_space<semaphore_mem>>)
      %mul3A_177 = arith.constant 16 : i32
      %mul3A_178 = arith.muli %scan3A_27, %mul3A_177 : i32
      %add3A_179 = arith.constant 6 : i32
      %add3A_180 = arith.addi %mul3A_178, %add3A_179 : i32
      %slice3A_181 = vector.extract_strided_slice %shift_right_logical3A_33 {offsets = [6], sizes = [1], strides = [1]} : vector<16xi32> to vector<1xi32>
      %squeeze3A_182 = vector.extract %slice3A_181[0] : i32 from vector<1xi32>
      %slice3A_183 = vector.extract_strided_slice %and3A_35 {offsets = [6], sizes = [1], strides = [1]} : vector<16xi32> to vector<1xi32>
      %squeeze3A_184 = vector.extract %slice3A_183[0] : i32 from vector<1xi32>
      %shift_right_logical3A_185 = arith.constant 3 : i32
      %shift_right_logical3A_186 = arith.shrui %add3A_180, %shift_right_logical3A_185 : i32
      %and3A_187 = arith.constant 7 : i32
      %and3A_188 = arith.andi %add3A_180, %and3A_187 : i32
      %dma_start3A_189 = arith.constant 0 : i32
      %dma_start3A_190 = tpu.memref_slice %arg7[%shift_right_logical3A_186, %and3A_188, %dma_start3A_189] : memref<64x8x64xf32, #tpu.memory_space<vmem>> -> memref<1x1x64xf32, #tpu.memory_space<vmem>>
      %dma_start3A_191 = tpu.memref_squeeze %dma_start3A_190 : memref<1x1x64xf32, #tpu.memory_space<vmem>> -> memref<64xf32, #tpu.memory_space<vmem>>
      %dma_start3A_192 = arith.constant 0 : i32
      %dma_start3A_193 = tpu.memref_slice %arg4[%squeeze3A_182, %squeeze3A_184, %dma_start3A_192] : memref<125000x8x64xf32, #tpu.memory_space<hbm>> -> memref<1x1x64xf32, #tpu.memory_space<hbm>>
      %dma_start3A_194 = tpu.memref_squeeze %dma_start3A_193 : memref<1x1x64xf32, #tpu.memory_space<hbm>> -> memref<64xf32, #tpu.memory_space<hbm>>
      %dma_start3A_195 = arith.constant 0 : i32
      %dma_start3A_196 = tpu.memref_slice %arg7[%shift_right_logical3A_186, %and3A_188, %dma_start3A_195] : memref<64x8x64xf32, #tpu.memory_space<vmem>> -> memref<1x1x64xf32, #tpu.memory_space<vmem>>
      %dma_start3A_197 = tpu.memref_squeeze %dma_start3A_196 : memref<1x1x64xf32, #tpu.memory_space<vmem>> -> memref<64xf32, #tpu.memory_space<vmem>>
      %dma_start3A_198 = arith.constant 0 : i32
      %dma_start3A_199 = tpu.memref_slice %arg4[%squeeze3A_182, %squeeze3A_184, %dma_start3A_198] : memref<125000x8x64xf32, #tpu.memory_space<hbm>> -> memref<1x1x64xf32, #tpu.memory_space<hbm>>
      %dma_start3A_200 = tpu.memref_squeeze %dma_start3A_199 : memref<1x1x64xf32, #tpu.memory_space<hbm>> -> memref<64xf32, #tpu.memory_space<hbm>>
      tpu.enqueue_dma source(%dma_start3A_200 : memref<64xf32, #tpu.memory_space<hbm>>) target(%dma_start3A_197 : memref<64xf32, #tpu.memory_space<vmem>>) target_semaphore(%arg10 : memref<!tpu.dma_semaphore, #tpu.memory_space<semaphore_mem>>)
      %mul3A_201 = arith.constant 16 : i32
      %mul3A_202 = arith.muli %scan3A_27, %mul3A_201 : i32
      %add3A_203 = arith.constant 7 : i32
      %add3A_204 = arith.addi %mul3A_202, %add3A_203 : i32
      %slice3A_205 = vector.extract_strided_slice %shift_right_logical3A_33 {offsets = [7], sizes = [1], strides = [1]} : vector<16xi32> to vector<1xi32>
      %squeeze3A_206 = vector.extract %slice3A_205[0] : i32 from vector<1xi32>
      %slice3A_207 = vector.extract_strided_slice %and3A_35 {offsets = [7], sizes = [1], strides = [1]} : vector<16xi32> to vector<1xi32>
      %squeeze3A_208 = vector.extract %slice3A_207[0] : i32 from vector<1xi32>
      %shift_right_logical3A_209 = arith.constant 3 : i32
      %shift_right_logical3A_210 = arith.shrui %add3A_204, %shift_right_logical3A_209 : i32
      %and3A_211 = arith.constant 7 : i32
      %and3A_212 = arith.andi %add3A_204, %and3A_211 : i32
      %dma_start3A_213 = arith.constant 0 : i32
      %dma_start3A_214 = tpu.memref_slice %arg7[%shift_right_logical3A_210, %and3A_212, %dma_start3A_213] : memref<64x8x64xf32, #tpu.memory_space<vmem>> -> memref<1x1x64xf32, #tpu.memory_space<vmem>>
      %dma_start3A_215 = tpu.memref_squeeze %dma_start3A_214 : memref<1x1x64xf32, #tpu.memory_space<vmem>> -> memref<64xf32, #tpu.memory_space<vmem>>
      %dma_start3A_216 = arith.constant 0 : i32
      %dma_start3A_217 = tpu.memref_slice %arg4[%squeeze3A_206, %squeeze3A_208, %dma_start3A_216] : memref<125000x8x64xf32, #tpu.memory_space<hbm>> -> memref<1x1x64xf32, #tpu.memory_space<hbm>>
      %dma_start3A_218 = tpu.memref_squeeze %dma_start3A_217 : memref<1x1x64xf32, #tpu.memory_space<hbm>> -> memref<64xf32, #tpu.memory_space<hbm>>
      %dma_start3A_219 = arith.constant 0 : i32
      %dma_start3A_220 = tpu.memref_slice %arg7[%shift_right_logical3A_210, %and3A_212, %dma_start3A_219] : memref<64x8x64xf32, #tpu.memory_space<vmem>> -> memref<1x1x64xf32, #tpu.memory_space<vmem>>
      %dma_start3A_221 = tpu.memref_squeeze %dma_start3A_220 : memref<1x1x64xf32, #tpu.memory_space<vmem>> -> memref<64xf32, #tpu.memory_space<vmem>>
      %dma_start3A_222 = arith.constant 0 : i32
      %dma_start3A_223 = tpu.memref_slice %arg4[%squeeze3A_206, %squeeze3A_208, %dma_start3A_222] : memref<125000x8x64xf32, #tpu.memory_space<hbm>> -> memref<1x1x64xf32, #tpu.memory_space<hbm>>
      %dma_start3A_224 = tpu.memref_squeeze %dma_start3A_223 : memref<1x1x64xf32, #tpu.memory_space<hbm>> -> memref<64xf32, #tpu.memory_space<hbm>>
      tpu.enqueue_dma source(%dma_start3A_224 : memref<64xf32, #tpu.memory_space<hbm>>) target(%dma_start3A_221 : memref<64xf32, #tpu.memory_space<vmem>>) target_semaphore(%arg10 : memref<!tpu.dma_semaphore, #tpu.memory_space<semaphore_mem>>)
      %mul3A_225 = arith.constant 16 : i32
      %mul3A_226 = arith.muli %scan3A_27, %mul3A_225 : i32
      %add3A_227 = arith.constant 8 : i32
      %add3A_228 = arith.addi %mul3A_226, %add3A_227 : i32
      %slice3A_229 = vector.extract_strided_slice %shift_right_logical3A_33 {offsets = [8], sizes = [1], strides = [1]} : vector<16xi32> to vector<1xi32>
      %squeeze3A_230 = vector.extract %slice3A_229[0] : i32 from vector<1xi32>
      %slice3A_231 = vector.extract_strided_slice %and3A_35 {offsets = [8], sizes = [1], strides = [1]} : vector<16xi32> to vector<1xi32>
      %squeeze3A_232 = vector.extract %slice3A_231[0] : i32 from vector<1xi32>
      %shift_right_logical3A_233 = arith.constant 3 : i32
      %shift_right_logical3A_234 = arith.shrui %add3A_228, %shift_right_logical3A_233 : i32
      %and3A_235 = arith.constant 7 : i32
      %and3A_236 = arith.andi %add3A_228, %and3A_235 : i32
      %dma_start3A_237 = arith.constant 0 : i32
      %dma_start3A_238 = tpu.memref_slice %arg7[%shift_right_logical3A_234, %and3A_236, %dma_start3A_237] : memref<64x8x64xf32, #tpu.memory_space<vmem>> -> memref<1x1x64xf32, #tpu.memory_space<vmem>>
      %dma_start3A_239 = tpu.memref_squeeze %dma_start3A_238 : memref<1x1x64xf32, #tpu.memory_space<vmem>> -> memref<64xf32, #tpu.memory_space<vmem>>
      %dma_start3A_240 = arith.constant 0 : i32
      %dma_start3A_241 = tpu.memref_slice %arg4[%squeeze3A_230, %squeeze3A_232, %dma_start3A_240] : memref<125000x8x64xf32, #tpu.memory_space<hbm>> -> memref<1x1x64xf32, #tpu.memory_space<hbm>>
      %dma_start3A_242 = tpu.memref_squeeze %dma_start3A_241 : memref<1x1x64xf32, #tpu.memory_space<hbm>> -> memref<64xf32, #tpu.memory_space<hbm>>
      %dma_start3A_243 = arith.constant 0 : i32
      %dma_start3A_244 = tpu.memref_slice %arg7[%shift_right_logical3A_234, %and3A_236, %dma_start3A_243] : memref<64x8x64xf32, #tpu.memory_space<vmem>> -> memref<1x1x64xf32, #tpu.memory_space<vmem>>
      %dma_start3A_245 = tpu.memref_squeeze %dma_start3A_244 : memref<1x1x64xf32, #tpu.memory_space<vmem>> -> memref<64xf32, #tpu.memory_space<vmem>>
      %dma_start3A_246 = arith.constant 0 : i32
      %dma_start3A_247 = tpu.memref_slice %arg4[%squeeze3A_230, %squeeze3A_232, %dma_start3A_246] : memref<125000x8x64xf32, #tpu.memory_space<hbm>> -> memref<1x1x64xf32, #tpu.memory_space<hbm>>
      %dma_start3A_248 = tpu.memref_squeeze %dma_start3A_247 : memref<1x1x64xf32, #tpu.memory_space<hbm>> -> memref<64xf32, #tpu.memory_space<hbm>>
      tpu.enqueue_dma source(%dma_start3A_248 : memref<64xf32, #tpu.memory_space<hbm>>) target(%dma_start3A_245 : memref<64xf32, #tpu.memory_space<vmem>>) target_semaphore(%arg10 : memref<!tpu.dma_semaphore, #tpu.memory_space<semaphore_mem>>)
      %mul3A_249 = arith.constant 16 : i32
      %mul3A_250 = arith.muli %scan3A_27, %mul3A_249 : i32
      %add3A_251 = arith.constant 9 : i32
      %add3A_252 = arith.addi %mul3A_250, %add3A_251 : i32
      %slice3A_253 = vector.extract_strided_slice %shift_right_logical3A_33 {offsets = [9], sizes = [1], strides = [1]} : vector<16xi32> to vector<1xi32>
      %squeeze3A_254 = vector.extract %slice3A_253[0] : i32 from vector<1xi32>
      %slice3A_255 = vector.extract_strided_slice %and3A_35 {offsets = [9], sizes = [1], strides = [1]} : vector<16xi32> to vector<1xi32>
      %squeeze3A_256 = vector.extract %slice3A_255[0] : i32 from vector<1xi32>
      %shift_right_logical3A_257 = arith.constant 3 : i32
      %shift_right_logical3A_258 = arith.shrui %add3A_252, %shift_right_logical3A_257 : i32
      %and3A_259 = arith.constant 7 : i32
      %and3A_260 = arith.andi %add3A_252, %and3A_259 : i32
      %dma_start3A_261 = arith.constant 0 : i32
      %dma_start3A_262 = tpu.memref_slice %arg7[%shift_right_logical3A_258, %and3A_260, %dma_start3A_261] : memref<64x8x64xf32, #tpu.memory_space<vmem>> -> memref<1x1x64xf32, #tpu.memory_space<vmem>>
      %dma_start3A_263 = tpu.memref_squeeze %dma_start3A_262 : memref<1x1x64xf32, #tpu.memory_space<vmem>> -> memref<64xf32, #tpu.memory_space<vmem>>
      %dma_start3A_264 = arith.constant 0 : i32
      %dma_start3A_265 = tpu.memref_slice %arg4[%squeeze3A_254, %squeeze3A_256, %dma_start3A_264] : memref<125000x8x64xf32, #tpu.memory_space<hbm>> -> memref<1x1x64xf32, #tpu.memory_space<hbm>>
      %dma_start3A_266 = tpu.memref_squeeze %dma_start3A_265 : memref<1x1x64xf32, #tpu.memory_space<hbm>> -> memref<64xf32, #tpu.memory_space<hbm>>
      %dma_start3A_267 = arith.constant 0 : i32
      %dma_start3A_268 = tpu.memref_slice %arg7[%shift_right_logical3A_258, %and3A_260, %dma_start3A_267] : memref<64x8x64xf32, #tpu.memory_space<vmem>> -> memref<1x1x64xf32, #tpu.memory_space<vmem>>
      %dma_start3A_269 = tpu.memref_squeeze %dma_start3A_268 : memref<1x1x64xf32, #tpu.memory_space<vmem>> -> memref<64xf32, #tpu.memory_space<vmem>>
      %dma_start3A_270 = arith.constant 0 : i32
      %dma_start3A_271 = tpu.memref_slice %arg4[%squeeze3A_254, %squeeze3A_256, %dma_start3A_270] : memref<125000x8x64xf32, #tpu.memory_space<hbm>> -> memref<1x1x64xf32, #tpu.memory_space<hbm>>
      %dma_start3A_272 = tpu.memref_squeeze %dma_start3A_271 : memref<1x1x64xf32, #tpu.memory_space<hbm>> -> memref<64xf32, #tpu.memory_space<hbm>>
      tpu.enqueue_dma source(%dma_start3A_272 : memref<64xf32, #tpu.memory_space<hbm>>) target(%dma_start3A_269 : memref<64xf32, #tpu.memory_space<vmem>>) target_semaphore(%arg10 : memref<!tpu.dma_semaphore, #tpu.memory_space<semaphore_mem>>)
      %mul3A_273 = arith.constant 16 : i32
      %mul3A_274 = arith.muli %scan3A_27, %mul3A_273 : i32
      %add3A_275 = arith.constant 10 : i32
      %add3A_276 = arith.addi %mul3A_274, %add3A_275 : i32
      %slice3A_277 = vector.extract_strided_slice %shift_right_logical3A_33 {offsets = [10], sizes = [1], strides = [1]} : vector<16xi32> to vector<1xi32>
      %squeeze3A_278 = vector.extract %slice3A_277[0] : i32 from vector<1xi32>
      %slice3A_279 = vector.extract_strided_slice %and3A_35 {offsets = [10], sizes = [1], strides = [1]} : vector<16xi32> to vector<1xi32>
      %squeeze3A_280 = vector.extract %slice3A_279[0] : i32 from vector<1xi32>
      %shift_right_logical3A_281 = arith.constant 3 : i32
      %shift_right_logical3A_282 = arith.shrui %add3A_276, %shift_right_logical3A_281 : i32
      %and3A_283 = arith.constant 7 : i32
      %and3A_284 = arith.andi %add3A_276, %and3A_283 : i32
      %dma_start3A_285 = arith.constant 0 : i32
      %dma_start3A_286 = tpu.memref_slice %arg7[%shift_right_logical3A_282, %and3A_284, %dma_start3A_285] : memref<64x8x64xf32, #tpu.memory_space<vmem>> -> memref<1x1x64xf32, #tpu.memory_space<vmem>>
      %dma_start3A_287 = tpu.memref_squeeze %dma_start3A_286 : memref<1x1x64xf32, #tpu.memory_space<vmem>> -> memref<64xf32, #tpu.memory_space<vmem>>
      %dma_start3A_288 = arith.constant 0 : i32
      %dma_start3A_289 = tpu.memref_slice %arg4[%squeeze3A_278, %squeeze3A_280, %dma_start3A_288] : memref<125000x8x64xf32, #tpu.memory_space<hbm>> -> memref<1x1x64xf32, #tpu.memory_space<hbm>>
      %dma_start3A_290 = tpu.memref_squeeze %dma_start3A_289 : memref<1x1x64xf32, #tpu.memory_space<hbm>> -> memref<64xf32, #tpu.memory_space<hbm>>
      %dma_start3A_291 = arith.constant 0 : i32
      %dma_start3A_292 = tpu.memref_slice %arg7[%shift_right_logical3A_282, %and3A_284, %dma_start3A_291] : memref<64x8x64xf32, #tpu.memory_space<vmem>> -> memref<1x1x64xf32, #tpu.memory_space<vmem>>
      %dma_start3A_293 = tpu.memref_squeeze %dma_start3A_292 : memref<1x1x64xf32, #tpu.memory_space<vmem>> -> memref<64xf32, #tpu.memory_space<vmem>>
      %dma_start3A_294 = arith.constant 0 : i32
      %dma_start3A_295 = tpu.memref_slice %arg4[%squeeze3A_278, %squeeze3A_280, %dma_start3A_294] : memref<125000x8x64xf32, #tpu.memory_space<hbm>> -> memref<1x1x64xf32, #tpu.memory_space<hbm>>
      %dma_start3A_296 = tpu.memref_squeeze %dma_start3A_295 : memref<1x1x64xf32, #tpu.memory_space<hbm>> -> memref<64xf32, #tpu.memory_space<hbm>>
      tpu.enqueue_dma source(%dma_start3A_296 : memref<64xf32, #tpu.memory_space<hbm>>) target(%dma_start3A_293 : memref<64xf32, #tpu.memory_space<vmem>>) target_semaphore(%arg10 : memref<!tpu.dma_semaphore, #tpu.memory_space<semaphore_mem>>)
      %mul3A_297 = arith.constant 16 : i32
      %mul3A_298 = arith.muli %scan3A_27, %mul3A_297 : i32
      %add3A_299 = arith.constant 11 : i32
      %add3A_300 = arith.addi %mul3A_298, %add3A_299 : i32
      %slice3A_301 = vector.extract_strided_slice %shift_right_logical3A_33 {offsets = [11], sizes = [1], strides = [1]} : vector<16xi32> to vector<1xi32>
      %squeeze3A_302 = vector.extract %slice3A_301[0] : i32 from vector<1xi32>
      %slice3A_303 = vector.extract_strided_slice %and3A_35 {offsets = [11], sizes = [1], strides = [1]} : vector<16xi32> to vector<1xi32>
      %squeeze3A_304 = vector.extract %slice3A_303[0] : i32 from vector<1xi32>
      %shift_right_logical3A_305 = arith.constant 3 : i32
      %shift_right_logical3A_306 = arith.shrui %add3A_300, %shift_right_logical3A_305 : i32
      %and3A_307 = arith.constant 7 : i32
      %and3A_308 = arith.andi %add3A_300, %and3A_307 : i32
      %dma_start3A_309 = arith.constant 0 : i32
      %dma_start3A_310 = tpu.memref_slice %arg7[%shift_right_logical3A_306, %and3A_308, %dma_start3A_309] : memref<64x8x64xf32, #tpu.memory_space<vmem>> -> memref<1x1x64xf32, #tpu.memory_space<vmem>>
      %dma_start3A_311 = tpu.memref_squeeze %dma_start3A_310 : memref<1x1x64xf32, #tpu.memory_space<vmem>> -> memref<64xf32, #tpu.memory_space<vmem>>
      %dma_start3A_312 = arith.constant 0 : i32
      %dma_start3A_313 = tpu.memref_slice %arg4[%squeeze3A_302, %squeeze3A_304, %dma_start3A_312] : memref<125000x8x64xf32, #tpu.memory_space<hbm>> -> memref<1x1x64xf32, #tpu.memory_space<hbm>>
      %dma_start3A_314 = tpu.memref_squeeze %dma_start3A_313 : memref<1x1x64xf32, #tpu.memory_space<hbm>> -> memref<64xf32, #tpu.memory_space<hbm>>
      %dma_start3A_315 = arith.constant 0 : i32
      %dma_start3A_316 = tpu.memref_slice %arg7[%shift_right_logical3A_306, %and3A_308, %dma_start3A_315] : memref<64x8x64xf32, #tpu.memory_space<vmem>> -> memref<1x1x64xf32, #tpu.memory_space<vmem>>
      %dma_start3A_317 = tpu.memref_squeeze %dma_start3A_316 : memref<1x1x64xf32, #tpu.memory_space<vmem>> -> memref<64xf32, #tpu.memory_space<vmem>>
      %dma_start3A_318 = arith.constant 0 : i32
      %dma_start3A_319 = tpu.memref_slice %arg4[%squeeze3A_302, %squeeze3A_304, %dma_start3A_318] : memref<125000x8x64xf32, #tpu.memory_space<hbm>> -> memref<1x1x64xf32, #tpu.memory_space<hbm>>
      %dma_start3A_320 = tpu.memref_squeeze %dma_start3A_319 : memref<1x1x64xf32, #tpu.memory_space<hbm>> -> memref<64xf32, #tpu.memory_space<hbm>>
      tpu.enqueue_dma source(%dma_start3A_320 : memref<64xf32, #tpu.memory_space<hbm>>) target(%dma_start3A_317 : memref<64xf32, #tpu.memory_space<vmem>>) target_semaphore(%arg10 : memref<!tpu.dma_semaphore, #tpu.memory_space<semaphore_mem>>)
      %mul3A_321 = arith.constant 16 : i32
      %mul3A_322 = arith.muli %scan3A_27, %mul3A_321 : i32
      %add3A_323 = arith.constant 12 : i32
      %add3A_324 = arith.addi %mul3A_322, %add3A_323 : i32
      %slice3A_325 = vector.extract_strided_slice %shift_right_logical3A_33 {offsets = [12], sizes = [1], strides = [1]} : vector<16xi32> to vector<1xi32>
      %squeeze3A_326 = vector.extract %slice3A_325[0] : i32 from vector<1xi32>
      %slice3A_327 = vector.extract_strided_slice %and3A_35 {offsets = [12], sizes = [1], strides = [1]} : vector<16xi32> to vector<1xi32>
      %squeeze3A_328 = vector.extract %slice3A_327[0] : i32 from vector<1xi32>
      %shift_right_logical3A_329 = arith.constant 3 : i32
      %shift_right_logical3A_330 = arith.shrui %add3A_324, %shift_right_logical3A_329 : i32
      %and3A_331 = arith.constant 7 : i32
      %and3A_332 = arith.andi %add3A_324, %and3A_331 : i32
      %dma_start3A_333 = arith.constant 0 : i32
      %dma_start3A_334 = tpu.memref_slice %arg7[%shift_right_logical3A_330, %and3A_332, %dma_start3A_333] : memref<64x8x64xf32, #tpu.memory_space<vmem>> -> memref<1x1x64xf32, #tpu.memory_space<vmem>>
      %dma_start3A_335 = tpu.memref_squeeze %dma_start3A_334 : memref<1x1x64xf32, #tpu.memory_space<vmem>> -> memref<64xf32, #tpu.memory_space<vmem>>
      %dma_start3A_336 = arith.constant 0 : i32
      %dma_start3A_337 = tpu.memref_slice %arg4[%squeeze3A_326, %squeeze3A_328, %dma_start3A_336] : memref<125000x8x64xf32, #tpu.memory_space<hbm>> -> memref<1x1x64xf32, #tpu.memory_space<hbm>>
      %dma_start3A_338 = tpu.memref_squeeze %dma_start3A_337 : memref<1x1x64xf32, #tpu.memory_space<hbm>> -> memref<64xf32, #tpu.memory_space<hbm>>
      %dma_start3A_339 = arith.constant 0 : i32
      %dma_start3A_340 = tpu.memref_slice %arg7[%shift_right_logical3A_330, %and3A_332, %dma_start3A_339] : memref<64x8x64xf32, #tpu.memory_space<vmem>> -> memref<1x1x64xf32, #tpu.memory_space<vmem>>
      %dma_start3A_341 = tpu.memref_squeeze %dma_start3A_340 : memref<1x1x64xf32, #tpu.memory_space<vmem>> -> memref<64xf32, #tpu.memory_space<vmem>>
      %dma_start3A_342 = arith.constant 0 : i32
      %dma_start3A_343 = tpu.memref_slice %arg4[%squeeze3A_326, %squeeze3A_328, %dma_start3A_342] : memref<125000x8x64xf32, #tpu.memory_space<hbm>> -> memref<1x1x64xf32, #tpu.memory_space<hbm>>
      %dma_start3A_344 = tpu.memref_squeeze %dma_start3A_343 : memref<1x1x64xf32, #tpu.memory_space<hbm>> -> memref<64xf32, #tpu.memory_space<hbm>>
      tpu.enqueue_dma source(%dma_start3A_344 : memref<64xf32, #tpu.memory_space<hbm>>) target(%dma_start3A_341 : memref<64xf32, #tpu.memory_space<vmem>>) target_semaphore(%arg10 : memref<!tpu.dma_semaphore, #tpu.memory_space<semaphore_mem>>)
      %mul3A_345 = arith.constant 16 : i32
      %mul3A_346 = arith.muli %scan3A_27, %mul3A_345 : i32
      %add3A_347 = arith.constant 13 : i32
      %add3A_348 = arith.addi %mul3A_346, %add3A_347 : i32
      %slice3A_349 = vector.extract_strided_slice %shift_right_logical3A_33 {offsets = [13], sizes = [1], strides = [1]} : vector<16xi32> to vector<1xi32>
      %squeeze3A_350 = vector.extract %slice3A_349[0] : i32 from vector<1xi32>
      %slice3A_351 = vector.extract_strided_slice %and3A_35 {offsets = [13], sizes = [1], strides = [1]} : vector<16xi32> to vector<1xi32>
      %squeeze3A_352 = vector.extract %slice3A_351[0] : i32 from vector<1xi32>
      %shift_right_logical3A_353 = arith.constant 3 : i32
      %shift_right_logical3A_354 = arith.shrui %add3A_348, %shift_right_logical3A_353 : i32
      %and3A_355 = arith.constant 7 : i32
      %and3A_356 = arith.andi %add3A_348, %and3A_355 : i32
      %dma_start3A_357 = arith.constant 0 : i32
      %dma_start3A_358 = tpu.memref_slice %arg7[%shift_right_logical3A_354, %and3A_356, %dma_start3A_357] : memref<64x8x64xf32, #tpu.memory_space<vmem>> -> memref<1x1x64xf32, #tpu.memory_space<vmem>>
      %dma_start3A_359 = tpu.memref_squeeze %dma_start3A_358 : memref<1x1x64xf32, #tpu.memory_space<vmem>> -> memref<64xf32, #tpu.memory_space<vmem>>
      %dma_start3A_360 = arith.constant 0 : i32
      %dma_start3A_361 = tpu.memref_slice %arg4[%squeeze3A_350, %squeeze3A_352, %dma_start3A_360] : memref<125000x8x64xf32, #tpu.memory_space<hbm>> -> memref<1x1x64xf32, #tpu.memory_space<hbm>>
      %dma_start3A_362 = tpu.memref_squeeze %dma_start3A_361 : memref<1x1x64xf32, #tpu.memory_space<hbm>> -> memref<64xf32, #tpu.memory_space<hbm>>
      %dma_start3A_363 = arith.constant 0 : i32
      %dma_start3A_364 = tpu.memref_slice %arg7[%shift_right_logical3A_354, %and3A_356, %dma_start3A_363] : memref<64x8x64xf32, #tpu.memory_space<vmem>> -> memref<1x1x64xf32, #tpu.memory_space<vmem>>
      %dma_start3A_365 = tpu.memref_squeeze %dma_start3A_364 : memref<1x1x64xf32, #tpu.memory_space<vmem>> -> memref<64xf32, #tpu.memory_space<vmem>>
      %dma_start3A_366 = arith.constant 0 : i32
      %dma_start3A_367 = tpu.memref_slice %arg4[%squeeze3A_350, %squeeze3A_352, %dma_start3A_366] : memref<125000x8x64xf32, #tpu.memory_space<hbm>> -> memref<1x1x64xf32, #tpu.memory_space<hbm>>
      %dma_start3A_368 = tpu.memref_squeeze %dma_start3A_367 : memref<1x1x64xf32, #tpu.memory_space<hbm>> -> memref<64xf32, #tpu.memory_space<hbm>>
      tpu.enqueue_dma source(%dma_start3A_368 : memref<64xf32, #tpu.memory_space<hbm>>) target(%dma_start3A_365 : memref<64xf32, #tpu.memory_space<vmem>>) target_semaphore(%arg10 : memref<!tpu.dma_semaphore, #tpu.memory_space<semaphore_mem>>)
      %mul3A_369 = arith.constant 16 : i32
      %mul3A_370 = arith.muli %scan3A_27, %mul3A_369 : i32
      %add3A_371 = arith.constant 14 : i32
      %add3A_372 = arith.addi %mul3A_370, %add3A_371 : i32
      %slice3A_373 = vector.extract_strided_slice %shift_right_logical3A_33 {offsets = [14], sizes = [1], strides = [1]} : vector<16xi32> to vector<1xi32>
      %squeeze3A_374 = vector.extract %slice3A_373[0] : i32 from vector<1xi32>
      %slice3A_375 = vector.extract_strided_slice %and3A_35 {offsets = [14], sizes = [1], strides = [1]} : vector<16xi32> to vector<1xi32>
      %squeeze3A_376 = vector.extract %slice3A_375[0] : i32 from vector<1xi32>
      %shift_right_logical3A_377 = arith.constant 3 : i32
      %shift_right_logical3A_378 = arith.shrui %add3A_372, %shift_right_logical3A_377 : i32
      %and3A_379 = arith.constant 7 : i32
      %and3A_380 = arith.andi %add3A_372, %and3A_379 : i32
      %dma_start3A_381 = arith.constant 0 : i32
      %dma_start3A_382 = tpu.memref_slice %arg7[%shift_right_logical3A_378, %and3A_380, %dma_start3A_381] : memref<64x8x64xf32, #tpu.memory_space<vmem>> -> memref<1x1x64xf32, #tpu.memory_space<vmem>>
      %dma_start3A_383 = tpu.memref_squeeze %dma_start3A_382 : memref<1x1x64xf32, #tpu.memory_space<vmem>> -> memref<64xf32, #tpu.memory_space<vmem>>
      %dma_start3A_384 = arith.constant 0 : i32
      %dma_start3A_385 = tpu.memref_slice %arg4[%squeeze3A_374, %squeeze3A_376, %dma_start3A_384] : memref<125000x8x64xf32, #tpu.memory_space<hbm>> -> memref<1x1x64xf32, #tpu.memory_space<hbm>>
      %dma_start3A_386 = tpu.memref_squeeze %dma_start3A_385 : memref<1x1x64xf32, #tpu.memory_space<hbm>> -> memref<64xf32, #tpu.memory_space<hbm>>
      %dma_start3A_387 = arith.constant 0 : i32
      %dma_start3A_388 = tpu.memref_slice %arg7[%shift_right_logical3A_378, %and3A_380, %dma_start3A_387] : memref<64x8x64xf32, #tpu.memory_space<vmem>> -> memref<1x1x64xf32, #tpu.memory_space<vmem>>
      %dma_start3A_389 = tpu.memref_squeeze %dma_start3A_388 : memref<1x1x64xf32, #tpu.memory_space<vmem>> -> memref<64xf32, #tpu.memory_space<vmem>>
      %dma_start3A_390 = arith.constant 0 : i32
      %dma_start3A_391 = tpu.memref_slice %arg4[%squeeze3A_374, %squeeze3A_376, %dma_start3A_390] : memref<125000x8x64xf32, #tpu.memory_space<hbm>> -> memref<1x1x64xf32, #tpu.memory_space<hbm>>
      %dma_start3A_392 = tpu.memref_squeeze %dma_start3A_391 : memref<1x1x64xf32, #tpu.memory_space<hbm>> -> memref<64xf32, #tpu.memory_space<hbm>>
      tpu.enqueue_dma source(%dma_start3A_392 : memref<64xf32, #tpu.memory_space<hbm>>) target(%dma_start3A_389 : memref<64xf32, #tpu.memory_space<vmem>>) target_semaphore(%arg10 : memref<!tpu.dma_semaphore, #tpu.memory_space<semaphore_mem>>)
      %mul3A_393 = arith.constant 16 : i32
      %mul3A_394 = arith.muli %scan3A_27, %mul3A_393 : i32
      %add3A_395 = arith.constant 15 : i32
      %add3A_396 = arith.addi %mul3A_394, %add3A_395 : i32
      %slice3A_397 = vector.extract_strided_slice %shift_right_logical3A_33 {offsets = [15], sizes = [1], strides = [1]} : vector<16xi32> to vector<1xi32>
      %squeeze3A_398 = vector.extract %slice3A_397[0] : i32 from vector<1xi32>
      %slice3A_399 = vector.extract_strided_slice %and3A_35 {offsets = [15], sizes = [1], strides = [1]} : vector<16xi32> to vector<1xi32>
      %squeeze3A_400 = vector.extract %slice3A_399[0] : i32 from vector<1xi32>
      %shift_right_logical3A_401 = arith.constant 3 : i32
      %shift_right_logical3A_402 = arith.shrui %add3A_396, %shift_right_logical3A_401 : i32
      %and3A_403 = arith.constant 7 : i32
      %and3A_404 = arith.andi %add3A_396, %and3A_403 : i32
      %dma_start3A_405 = arith.constant 0 : i32
      %dma_start3A_406 = tpu.memref_slice %arg7[%shift_right_logical3A_402, %and3A_404, %dma_start3A_405] : memref<64x8x64xf32, #tpu.memory_space<vmem>> -> memref<1x1x64xf32, #tpu.memory_space<vmem>>
      %dma_start3A_407 = tpu.memref_squeeze %dma_start3A_406 : memref<1x1x64xf32, #tpu.memory_space<vmem>> -> memref<64xf32, #tpu.memory_space<vmem>>
      %dma_start3A_408 = arith.constant 0 : i32
      %dma_start3A_409 = tpu.memref_slice %arg4[%squeeze3A_398, %squeeze3A_400, %dma_start3A_408] : memref<125000x8x64xf32, #tpu.memory_space<hbm>> -> memref<1x1x64xf32, #tpu.memory_space<hbm>>
      %dma_start3A_410 = tpu.memref_squeeze %dma_start3A_409 : memref<1x1x64xf32, #tpu.memory_space<hbm>> -> memref<64xf32, #tpu.memory_space<hbm>>
      %dma_start3A_411 = arith.constant 0 : i32
      %dma_start3A_412 = tpu.memref_slice %arg7[%shift_right_logical3A_402, %and3A_404, %dma_start3A_411] : memref<64x8x64xf32, #tpu.memory_space<vmem>> -> memref<1x1x64xf32, #tpu.memory_space<vmem>>
      %dma_start3A_413 = tpu.memref_squeeze %dma_start3A_412 : memref<1x1x64xf32, #tpu.memory_space<vmem>> -> memref<64xf32, #tpu.memory_space<vmem>>
      %dma_start3A_414 = arith.constant 0 : i32
      %dma_start3A_415 = tpu.memref_slice %arg4[%squeeze3A_398, %squeeze3A_400, %dma_start3A_414] : memref<125000x8x64xf32, #tpu.memory_space<hbm>> -> memref<1x1x64xf32, #tpu.memory_space<hbm>>
      %dma_start3A_416 = tpu.memref_squeeze %dma_start3A_415 : memref<1x1x64xf32, #tpu.memory_space<hbm>> -> memref<64xf32, #tpu.memory_space<hbm>>
      tpu.enqueue_dma source(%dma_start3A_416 : memref<64xf32, #tpu.memory_space<hbm>>) target(%dma_start3A_413 : memref<64xf32, #tpu.memory_space<vmem>>) target_semaphore(%arg10 : memref<!tpu.dma_semaphore, #tpu.memory_space<semaphore_mem>>)
    }
    %scan3A_7 = arith.constant 32 : i32
    %mul3A_8 = arith.constant 64 : i32
    %mul3A_9 = arith.muli %mul3A_2, %mul3A_8 : i32
    "tpu.region"() ({
      %run_scoped3A = tpu.sem_alloc : memref<!tpu.dma_semaphore, #tpu.memory_space<semaphore_mem>>
      %dma_start3A = tpu.memref_slice %arg3[%mul3A_9] : memref<1048576xf32, #tpu.memory_space<hbm>> -> memref<32768xf32, #tpu.memory_space<hbm>>
      %dma_start3A_27 = tpu.memref_slice %arg3[%mul3A_9] : memref<1048576xf32, #tpu.memory_space<hbm>> -> memref<32768xf32, #tpu.memory_space<hbm>>
      tpu.enqueue_dma source(%dma_start3A_27 : memref<32768xf32, #tpu.memory_space<hbm>>) target(%arg8 : memref<32768xf32, #tpu.memory_space<vmem>>) target_semaphore(%run_scoped3A : memref<!tpu.dma_semaphore, #tpu.memory_space<semaphore_mem>>)
      %dma_wait3A_28 = tpu.memref_slice %arg3[%mul3A_9] : memref<1048576xf32, #tpu.memory_space<hbm>> -> memref<32768xf32, #tpu.memory_space<hbm>>
      %dma_wait3A_29 = tpu.memref_slice %arg3[%mul3A_9] : memref<1048576xf32, #tpu.memory_space<hbm>> -> memref<32768xf32, #tpu.memory_space<hbm>>
      tpu.wait_dma2 semaphore(%run_scoped3A : memref<!tpu.dma_semaphore, #tpu.memory_space<semaphore_mem>>) src(%dma_wait3A_29 : memref<32768xf32, #tpu.memory_space<hbm>>) dst(%arg8 : memref<32768xf32, #tpu.memory_space<vmem>>)
      tpu.yield
    }) : () -> ()
    %dma_wait3A = arith.constant 0 : i32
    %dma_wait3A_10 = arith.constant 0 : i32
    %dma_wait3A_11 = arith.constant 0 : i32
    %dma_wait3A_12 = tpu.memref_slice %arg4[%dma_wait3A, %dma_wait3A_10, %dma_wait3A_11] : memref<125000x8x64xf32, #tpu.memory_space<hbm>> -> memref<64x8x64xf32, #tpu.memory_space<hbm>>
    %dma_wait3A_13 = arith.constant 0 : i32
    %dma_wait3A_14 = arith.constant 0 : i32
    %dma_wait3A_15 = arith.constant 0 : i32
    %dma_wait3A_16 = tpu.memref_slice %arg4[%dma_wait3A_13, %dma_wait3A_14, %dma_wait3A_15] : memref<125000x8x64xf32, #tpu.memory_space<hbm>> -> memref<64x8x64xf32, #tpu.memory_space<hbm>>
    tpu.wait_dma2 semaphore(%arg10 : memref<!tpu.dma_semaphore, #tpu.memory_space<semaphore_mem>>) src(%dma_wait3A_16 : memref<64x8x64xf32, #tpu.memory_space<hbm>>) dst(%arg7 : memref<64x8x64xf32, #tpu.memory_space<vmem>>)
    %broadcast_in_dim3A = arith.constant 0.000000e+00 : f32
    %broadcast_in_dim3A_17 = vector.broadcast %broadcast_in_dim3A : f32 to vector<16xf32>
    %scan3A_18 = arith.constant 0 : i32
    %scan3A_19 = arith.constant 512 : i32
    %scan3A_20 = arith.addi %scan3A_18, %scan3A_19 : i32
    %scan3A_21 = arith.constant 1 : i32
    %scan3A_22 = scf.for %scan3A_27 = %scan3A_18 to %scan3A_20 step %scan3A_21 iter_args(%scan3A_28 = %broadcast_in_dim3A_17) -> (vector<16xf32>)  : i32 {
      %mul3A_29 = arith.constant 64 : i32
      %mul3A_30 = arith.muli %scan3A_27, %mul3A_29 : i32
      %add3A_31 = arith.constant 0 : i32
      %add3A_32 = arith.addi %mul3A_30, %add3A_31 : i32
      %get3A = arith.index_cast %add3A_32 : i32 to index
      %get3A_33 = tpu.vector_load %arg8[%get3A] {strides = array<i32>} : memref<32768xf32, #tpu.memory_space<vmem>>, vector<16xf32>,
      %get3A_34 = vector.shape_cast %get3A_33 : vector<16xf32> to vector<16xf32>
      %shift_right_logical3A = arith.constant 3 : i32
      %shift_right_logical3A_35 = arith.shrui %scan3A_27, %shift_right_logical3A : i32
      %and3A = arith.constant 7 : i32
      %and3A_36 = arith.andi %scan3A_27, %and3A : i32
      %get3A_37 = arith.index_cast %shift_right_logical3A_35 : i32 to index
      %get3A_38 = arith.index_cast %and3A_36 : i32 to index
      %get3A_39 = arith.constant 0 : index
      %get3A_40 = tpu.vector_load %arg7[%get3A_37, %get3A_38, %get3A_39] {strides = array<i32>} : memref<64x8x64xf32, #tpu.memory_space<vmem>>, vector<1x1x16xf32>,
      %get3A_41 = vector.shape_cast %get3A_40 : vector<1x1x16xf32> to vector<16xf32>
      %sub3A = arith.subf %get3A_34, %get3A_41 : vector<16xf32>
      %mul3A_42 = arith.mulf %sub3A, %sub3A : vector<16xf32>
      %add3A_43 = arith.addf %scan3A_28, %mul3A_42 : vector<16xf32>
      %mul3A_44 = arith.constant 64 : i32
      %mul3A_45 = arith.muli %scan3A_27, %mul3A_44 : i32
      %add3A_46 = arith.constant 16 : i32
      %add3A_47 = arith.addi %mul3A_45, %add3A_46 : i32
      %get3A_48 = arith.index_cast %add3A_47 : i32 to index
      %get3A_49 = tpu.vector_load %arg8[%get3A_48] {strides = array<i32>} : memref<32768xf32, #tpu.memory_space<vmem>>, vector<16xf32>,
      %get3A_50 = vector.shape_cast %get3A_49 : vector<16xf32> to vector<16xf32>
      %shift_right_logical3A_51 = arith.constant 3 : i32
      %shift_right_logical3A_52 = arith.shrui %scan3A_27, %shift_right_logical3A_51 : i32
      %and3A_53 = arith.constant 7 : i32
      %and3A_54 = arith.andi %scan3A_27, %and3A_53 : i32
      %get3A_55 = arith.index_cast %shift_right_logical3A_52 : i32 to index
      %get3A_56 = arith.index_cast %and3A_54 : i32 to index
      %get3A_57 = arith.constant 16 : index
      %get3A_58 = tpu.vector_load %arg7[%get3A_55, %get3A_56, %get3A_57] {strides = array<i32>} : memref<64x8x64xf32, #tpu.memory_space<vmem>>, vector<1x1x16xf32>,
      %get3A_59 = vector.shape_cast %get3A_58 : vector<1x1x16xf32> to vector<16xf32>
      %sub3A_60 = arith.subf %get3A_50, %get3A_59 : vector<16xf32>
      %mul3A_61 = arith.mulf %sub3A_60, %sub3A_60 : vector<16xf32>
      %add3A_62 = arith.addf %add3A_43, %mul3A_61 : vector<16xf32>
      %mul3A_63 = arith.constant 64 : i32
      %mul3A_64 = arith.muli %scan3A_27, %mul3A_63 : i32
      %add3A_65 = arith.constant 32 : i32
      %add3A_66 = arith.addi %mul3A_64, %add3A_65 : i32
      %get3A_67 = arith.index_cast %add3A_66 : i32 to index
      %get3A_68 = tpu.vector_load %arg8[%get3A_67] {strides = array<i32>} : memref<32768xf32, #tpu.memory_space<vmem>>, vector<16xf32>,
      %get3A_69 = vector.shape_cast %get3A_68 : vector<16xf32> to vector<16xf32>
      %shift_right_logical3A_70 = arith.constant 3 : i32
      %shift_right_logical3A_71 = arith.shrui %scan3A_27, %shift_right_logical3A_70 : i32
      %and3A_72 = arith.constant 7 : i32
      %and3A_73 = arith.andi %scan3A_27, %and3A_72 : i32
      %get3A_74 = arith.index_cast %shift_right_logical3A_71 : i32 to index
      %get3A_75 = arith.index_cast %and3A_73 : i32 to index
      %get3A_76 = arith.constant 32 : index
      %get3A_77 = tpu.vector_load %arg7[%get3A_74, %get3A_75, %get3A_76] {strides = array<i32>} : memref<64x8x64xf32, #tpu.memory_space<vmem>>, vector<1x1x16xf32>,
      %get3A_78 = vector.shape_cast %get3A_77 : vector<1x1x16xf32> to vector<16xf32>
      %sub3A_79 = arith.subf %get3A_69, %get3A_78 : vector<16xf32>
      %mul3A_80 = arith.mulf %sub3A_79, %sub3A_79 : vector<16xf32>
      %add3A_81 = arith.addf %add3A_62, %mul3A_80 : vector<16xf32>
      %mul3A_82 = arith.constant 64 : i32
      %mul3A_83 = arith.muli %scan3A_27, %mul3A_82 : i32
      %add3A_84 = arith.constant 48 : i32
      %add3A_85 = arith.addi %mul3A_83, %add3A_84 : i32
      %get3A_86 = arith.index_cast %add3A_85 : i32 to index
      %get3A_87 = tpu.vector_load %arg8[%get3A_86] {strides = array<i32>} : memref<32768xf32, #tpu.memory_space<vmem>>, vector<16xf32>,
      %get3A_88 = vector.shape_cast %get3A_87 : vector<16xf32> to vector<16xf32>
      %shift_right_logical3A_89 = arith.constant 3 : i32
      %shift_right_logical3A_90 = arith.shrui %scan3A_27, %shift_right_logical3A_89 : i32
      %and3A_91 = arith.constant 7 : i32
      %and3A_92 = arith.andi %scan3A_27, %and3A_91 : i32
      %get3A_93 = arith.index_cast %shift_right_logical3A_90 : i32 to index
      %get3A_94 = arith.index_cast %and3A_92 : i32 to index
      %get3A_95 = arith.constant 48 : index
      %get3A_96 = tpu.vector_load %arg7[%get3A_93, %get3A_94, %get3A_95] {strides = array<i32>} : memref<64x8x64xf32, #tpu.memory_space<vmem>>, vector<1x1x16xf32>,
      %get3A_97 = vector.shape_cast %get3A_96 : vector<1x1x16xf32> to vector<16xf32>
      %sub3A_98 = arith.subf %get3A_88, %get3A_97 : vector<16xf32>
      %mul3A_99 = arith.mulf %sub3A_98, %sub3A_98 : vector<16xf32>
      %add3A_100 = arith.addf %add3A_81, %mul3A_99 : vector<16xf32>
      scf.yield %add3A_100 : vector<16xf32>
    }
    %scan3A_23 = arith.constant 512 : i32
    %swap3A = arith.constant 0 : index
    %swap3A_24 = tpu.vector_load %arg9[%swap3A] {strides = array<i32>} : memref<16xf32, #tpu.memory_space<vmem>>, vector<16xf32>,
    %swap3A_25 = vector.shape_cast %swap3A_24 : vector<16xf32> to vector<16xf32>
    %swap3A_26 = vector.shape_cast %scan3A_22 : vector<16xf32> to vector<16xf32>
    tpu.vector_store %arg9[%swap3A], %swap3A_26 {strides = array<i32>} : memref<16xf32, #tpu.memory_space<vmem>>, vector<16xf32>,
    "tpu.region"() ({
      %run_scoped3A = tpu.sem_alloc : memref<!tpu.dma_semaphore, #tpu.memory_space<semaphore_mem>>
      %dma_start3A = arith.constant 0 : i32
      %dma_start3A_27 = tpu.memref_slice %arg5[%add3A, %dma_start3A] : memref<32x16xf32, #tpu.memory_space<hbm>> -> memref<1x16xf32, #tpu.memory_space<hbm>>
      %dma_start3A_28 = tpu.memref_squeeze %dma_start3A_27 : memref<1x16xf32, #tpu.memory_space<hbm>> -> memref<16xf32, #tpu.memory_space<hbm>>
      %dma_start3A_29 = arith.constant 0 : i32
      %dma_start3A_30 = tpu.memref_slice %arg5[%add3A, %dma_start3A_29] : memref<32x16xf32, #tpu.memory_space<hbm>> -> memref<1x16xf32, #tpu.memory_space<hbm>>
      %dma_start3A_31 = tpu.memref_squeeze %dma_start3A_30 : memref<1x16xf32, #tpu.memory_space<hbm>> -> memref<16xf32, #tpu.memory_space<hbm>>
      tpu.enqueue_dma source(%arg9 : memref<16xf32, #tpu.memory_space<vmem>>) target(%dma_start3A_31 : memref<16xf32, #tpu.memory_space<hbm>>) target_semaphore(%run_scoped3A : memref<!tpu.dma_semaphore, #tpu.memory_space<semaphore_mem>>)
      %dma_wait3A_32 = arith.constant 0 : i32
      %dma_wait3A_33 = tpu.memref_slice %arg5[%add3A, %dma_wait3A_32] : memref<32x16xf32, #tpu.memory_space<hbm>> -> memref<1x16xf32, #tpu.memory_space<hbm>>
      %dma_wait3A_34 = tpu.memref_squeeze %dma_wait3A_33 : memref<1x16xf32, #tpu.memory_space<hbm>> -> memref<16xf32, #tpu.memory_space<hbm>>
      %dma_wait3A_35 = arith.constant 0 : i32
      %dma_wait3A_36 = tpu.memref_slice %arg5[%add3A, %dma_wait3A_35] : memref<32x16xf32, #tpu.memory_space<hbm>> -> memref<1x16xf32, #tpu.memory_space<hbm>>
      %dma_wait3A_37 = tpu.memref_squeeze %dma_wait3A_36 : memref<1x16xf32, #tpu.memory_space<hbm>> -> memref<16xf32, #tpu.memory_space<hbm>>
      tpu.wait_dma2 semaphore(%run_scoped3A : memref<!tpu.dma_semaphore, #tpu.memory_space<semaphore_mem>>) src(%arg9 : memref<16xf32, #tpu.memory_space<vmem>>) dst(%dma_wait3A_37 : memref<16xf32, #tpu.memory_space<hbm>>)
      tpu.yield
    }) : () -> ()
    return
  }
}

</mosaic_0001>

<sc_bundles>
// kernel: _center_loss_partials.3.cloned.1.call-start
scs
__scs_entry_jumppad:
0x0: {  	(pc) =	sbr.rel $0x88, $3  }
0x1: {  	(tag) =	ssettag $0x0;
	lr =	simm.s32 $0x1  }
0x2: {  	[smem:$0x3F9E] =	sst lr;
	_ =	strace $0xD0000000  }
0x3: {  	_ = 	snop  }
0x4: {  	_ = 	snop  }
0x5: {  	_ = 	snop  }
0x6: {  	_ = 	snop  }
0x7: {  	_ = 	snop  }
__scs_overlays_trampoline_lowered:
0x8: {  	[smem:$0x3FAD] =	sst s0  }
0x9: {  	[smem:$0x3FAE] =	sst s1  }
0xa: {  	[smem:$0x3FAF] =	sst s2  }
0xb: {  	[smem:$0x3FB0] =	sst s3  }
0xc: {  	[smem:$0x3FB1] =	sst s4  }
0xd: {  	[smem:$0x3FB2] =	sst s5  }
0xe: {  	[smem:$0x3FB3] =	sst s6  }
0xf: {  	[smem:$0x3FB4] =	sst s7  }
0x10: {  	[smem:$0x3FB5] =	sst s8  }
0x11: {  	[smem:$0x3FB6] =	sst s9;
	s0 =	simm.s32 @!p0 $0x0  }
0x12: {  	s1 =	sld [smem:$0x3F9C];
	s0 =	simm.s32 @p0 $0x1  }
0x13: {  	[smem:$0x3FB7] =	sst s0;
	s0 =	simm.s32 @!p1 $0x0  }
0x14: {  	s2 =	sld [smem:$0x3F9B];
	s0 =	simm.s32 @p1 $0x1  }
0x15: {  	[smem:$0x3FB8] =	sst s0;
	s0 =	simm.s32 @!p2 $0x0  }
0x16: {  	s3 =	sld [smem:$0x3FDB];
	s0 =	simm.s32 @p2 $0x1  }
0x17: {  	s4 =	simm.s32 $0x1BF5;
	[smem:$0x3FBA] =	sst s0  }
0x18: {  	s0 =	sld [smem:$0x3F9D];
	_ =	swait.ge [sflag:s4], $0x0  }
0x19: {  	s7 =	sld [smem:$0x3F9E]  }
0x1a: {  	s8 =	sadd.s32 $0xFFFFE003, lr  }
0x1b: {  	s9 =	sadd.s32 $0xFFFFFEF7, lr;
	s5 =	simm.s32 $0xFFFFFFFF;
	p2 =	slt.u32 s8, $0xFFFFF086  }
0x1c: {  	p1 =	slt.u32 s9, $0xF7A;
	s5 =	simm.s32 @!p2 $0x0  }
0x1d: {  	s5 =	simm.s32 @p1 $0x1;
	p0 =	seq.s32 s7, s2  }
0x1e: {  	s7 =	smul.u32 @!p0 $0xF7A, s2;
	p2 =	seq.s32 @!p0 s5, $0x0  }
0x1f: {  	s9 =	smul.u32 $0xF7A, s1;
	s8 =	simm.s32 @!p0 $0x1BF5;
	p2 =	por !p2, p0  }
0x20: {  	[sflag:s8] =	ssyncset.s32 @!p0 $0xFFFFF086;
	s6 =	sadd.s32 @!p0 s3, s7;
	s7 =	simm.s32 @!p0 $0x108  }
0x21: {  	s3 =	sadd.s32 s3, s9;
	s6 =	sadd.s32 @!p0 $0x88, s6;
	s7 =	simm.s32 @p2 $0x1082  }
0x22: {  	[simem:s7], [sflag:s8] =	dma.local @!p0 [hbm:s6], $0xF7A  }
0x23: {  	s9 =	sor.u32 $0xD0000000, s2;
	s6 =	simm.s32 $0x108;
	_ =	swait.ge @!p0 [sflag:s8], $0x0  }
0x24: {  	s3 =	sadd.s32 $0x88, s3;
	s6 =	simm.s32 @!p1 $0x1082;
	[sflag:s4] =	ssyncset.s32 $0xFFFFF086  }
0x25: {  	[simem:s6], [sflag:s4] =	dma.local [hbm:s3], $0xF7A  }
0x26: {  	[smem:$0x3F9E] =	sst s1;
	(tag) =	ssettag s2;
	_ =	strace s9  }
0x27: {  	s1 =	sld [smem:$0x3FAE]  }
0x28: {  	s2 =	sld [smem:$0x3FAF]  }
0x29: {  	s4 =	sld [smem:$0x3FB1]  }
0x2a: {  	p0 =	seq.s32 s5, $0x0;
	s5 =	sld [smem:$0x3FB2]  }
0x2b: {  	s6 =	sld [smem:$0x3FB3]  }
0x2c: {  	s7 =	sld [smem:$0x3FB4]  }
0x2d: {  	s3 =	simm.s32 $0x108;
	s8 =	sld [smem:$0x3FB5]  }
0x2e: {  	s3 =	simm.s32 @!p0 $0x1082;
	s9 =	sld [smem:$0x3FB6]  }
0x2f: {  	lr =	sadd.s32 s0, s3;
	s0 =	sld [smem:$0x3FAD]  }
0x30: {  	s3 =	sld [smem:$0x3FB0]  }
0x31: {  	[smem:$0x3FB9] =	sst s10  }
0x32: {  	s10 =	sld [smem:$0x3FB7];
	_ =	sdelay $0x3  }
0x33: {  	p0 =	seq.s32 s10, $0x1;
	s10 =	sld [smem:$0x3FB9];
	_ =	sdelay $0x3  }
0x34: {  	[smem:$0x3FB9] =	sst s10  }
0x35: {  	s10 =	sld [smem:$0x3FB8];
	_ =	sdelay $0x3  }
0x36: {  	p1 =	seq.s32 s10, $0x1;
	s10 =	sld [smem:$0x3FB9];
	_ =	sdelay $0x3  }
0x37: {  	[smem:$0x3FB9] =	sst s10  }
0x38: {  	s10 =	sld [smem:$0x3FBA]  }
0x39: {  	_ = 	snop;
	(pc) =	sbr.ind lr, $3  }
0x3a: {  	_ = 	snop  }
0x3b: {  	_ = 	snop  }
0x3c: {  	p2 =	seq.s32 s10, $0x1;
	s10 =	sld [smem:$0x3FB9]  }
0x3d: {  	_ =	shalt  }
0x3e: {  	_ =	shalt  }
0x3f: {  	_ =	shalt  }
0x40: {  	_ =	shalt  }
0x41: {  	_ =	shalt  }
0x42: {  	_ =	shalt  }
0x43: {  	_ =	shalt  }
0x44: {  	_ =	shalt  }
0x45: {  	_ =	shalt  }
0x46: {  	_ =	shalt  }
0x47: {  	_ =	shalt  }
0x48: {  	_ =	shalt  }
0x49: {  	_ =	shalt  }
0x4a: {  	_ =	shalt  }
0x4b: {  	_ =	shalt  }
0x4c: {  	_ =	shalt  }
0x4d: {  	_ =	shalt  }
0x4e: {  	_ =	shalt  }
0x4f: {  	_ =	shalt  }
0x50: {  	_ =	shalt  }
0x51: {  	_ =	shalt  }
0x52: {  	_ =	shalt  }
0x53: {  	_ =	shalt  }
0x54: {  	_ =	shalt  }
0x55: {  	_ =	shalt  }
0x56: {  	_ =	shalt  }
0x57: {  	_ =	shalt  }
0x58: {  	_ =	shalt  }
0x59: {  	_ =	shalt  }
0x5a: {  	_ =	shalt  }
0x5b: {  	_ =	shalt  }
0x5c: {  	_ =	shalt  }
0x5d: {  	_ =	shalt  }
0x5e: {  	_ =	shalt  }
0x5f: {  	_ =	shalt  }
0x60: {  	_ =	shalt  }
0x61: {  	_ =	shalt  }
0x62: {  	_ =	shalt  }
0x63: {  	_ =	shalt  }
0x64: {  	_ =	shalt  }
0x65: {  	_ =	shalt  }
0x66: {  	_ =	shalt  }
0x67: {  	_ =	shalt  }
0x68: {  	_ =	shalt  }
0x69: {  	_ =	shalt  }
0x6a: {  	_ =	shalt  }
0x6b: {  	_ =	shalt  }
0x6c: {  	_ =	shalt  }
0x6d: {  	_ =	shalt  }
0x6e: {  	_ =	shalt  }
0x6f: {  	_ =	shalt  }
0x70: {  	_ =	shalt  }
0x71: {  	_ =	shalt  }
0x72: {  	_ =	shalt  }
0x73: {  	_ =	shalt  }
0x74: {  	_ =	shalt  }
0x75: {  	_ =	shalt  }
0x76: {  	_ =	shalt  }
0x77: {  	_ =	shalt  }
0x78: {  	_ =	shalt  }
0x79: {  	_ =	shalt  }
0x7a: {  	_ =	shalt  }
0x7b: {  	_ =	shalt  }
0x7c: {  	_ =	shalt  }
0x7d: {  	_ =	shalt  }
0x7e: {  	_ =	shalt  }
0x7f: {  	_ =	shalt  }
0x80: {  	_ =	shalt  }
0x81: {  	_ =	shalt  }
0x82: {  	_ =	shalt  }
0x83: {  	_ =	shalt  }
0x84: {  	_ =	shalt  }
0x85: {  	_ =	shalt  }
0x86: {  	_ =	shalt  }
0x87: {  	_ =	shalt  }
.Lfunc_end0:
.L_simem_size_0:
called_computation_lowered:
.L_overlay_start_0:
0x88: {  	s2 =	sld [smem:$0x3FD9]  }
0x89: {  	s3 =	sld [smem:$0x3FFE];
	_ =	sdelay $0x1  }
0x8a: {  	s1 =	srdreg.scid  }
0x8b: {  	s0 =	sand.u32 $0x1, s1  }
0x8c: {  	s17 =	sshll.u32 s0, $0xA;
	s2 =	sadd.s32 s3, s2  }
0x8d: {  	s2 =	sadd.s32 s2, s17  }
0x8e: {  	[smem:$0x3FC5] =	sst s2  }
0x8f: {  	_ = 	snop  }
0x90: {  	s2 =	sld [smem:$0x3FC9]  }
0x91: {  	s18 =	sld [smem:$0x3FC8];
	(tm) =	ssettm $0x1  }
0x92: {  	s4 =	sld [smem:$0x3FFB];
	_ =	sdelay $0x3  }
0x93: {  	_ =	strace s4  }
0x94: {  	s4 =	sld [smem:$0x3FFC];
	_ =	sdelay $0x3  }
0x95: {  	_ =	strace s4  }
0x96: {  	s4 =	sld [smem:$0x3FFD];
	_ =	sdelay $0x3  }
0x97: {  	_ =	strace s4  }
0x98: {  	_ =	strace $0x8FFFFFFF  }
0x99: {  	s19 =	sld [smem:$0x3FDB];
	_ =	sdelay $0x1  }
0x9a: {  	s5 =	simm.s32 $_scs_section_size  }
0x9b: {  	s6 =	simm.s32 $_size__tile_overlayer_lowered;
	s7 =	simm.s32 $_tile_overlayer_lowered  }
0x9c: {  	s22 =	simm.s32 $0x1BFF;
	s21 =	sshll.u32 s7, $0x1;
	s4 =	sadd.s32 s5, s19  }
0x9d: {  	s8 =	simm.s32 $0x0;
	s20 =	sshll.u32 s6, $0x1;
	s6 =	sadd.s32 s21, s4  }
0x9e: {  	[timem:s8], [sflag:s22] =	dma.local [hbm:s6], s20  }
0x9f: {  	_ =	swait.ge [sflag:s22], s20  }
0xa0: {  	s5 =	ssub.s32 $0x0, s20;
	[sflag:s22] =	ssyncset.done $0x0  }
0xa1: {  	[sflag:s22] =	ssyncadd.s32 s5;
	_ =	sdelay $0x1  }
0xa2: {  	s23 =	simm.s32 $0x1B8B  }
0xa3: {  	_ =	swait.ge [sflag:s23], $0x1  }
0xa4: {  	[sflag:s23] =	ssyncset.done $0x0  }
0xa5: {  	s25 =	simm.s32 $0x1B8E;
	s24 =	sld [smem:$0x3FFE];
	[sflag:s23] =	ssyncadd.s32 $0xFFFFFFFF  }
0xa6: {  	s26 =	simm.s32 $execute0_lowered;
	[smem:$0x3FD2] =	sst s25  }
0xa7: {  	s6 =	sshll.u32 s26, $0x1;
	_ =	strace $0x80000046;
	[dreg:$0x1] =	wrdreg $0xFFFFFFFF  }
0xa8: {  	s28 =	simm.s32 $_size_execute0_lowered;
	s4 =	sadd.s32 s4, s6;
	[dreg:$0x0] =	wrdreg $0x0  }
0xa9: {  	s6 =	sshll.u32 s28, $0x1;
	[dreg:$0x2] =	wrdreg s4  }
0xaa: {  	[dreg:$0x3] =	wrdreg s6  }
0xab: {  	[dreg:$0x4] =	wrdreg $0xC0  }
0xac: {  	_ =	task [dreg:s8], $0x5FFFF  }
0xad: {  	[dreg:$0x1] =	wrdreg $0xFFFFFFFF  }
0xae: {  	[dreg:$0x0] =	wrdreg $0x60  }
0xaf: {  	[dreg:$0x2] =	wrdreg s2  }
0xb0: {  	[dreg:$0x3] =	wrdreg s18  }
0xb1: {  	[dreg:$0x4] =	wrdreg s24  }
0xb2: {  	[dreg:$0x5] =	wrdreg $0x9  }
0xb3: {  	_ =	task.clear_ibuf [dreg:s8], $0x6FFFF;
	_ =	strace $0x90000046  }
0xb4: {  	s29 =	simm.s32 $0x9;
	_ =	strace $0x80000048  }
0xb5: {  	_ =	swait.ge [sflag:s29], $0x1  }
0xb6: {  	[sflag:s29] =	ssyncadd.s32 $0xFFFFFFFF  }
0xb7: {  	_ =	strace $0x90000048  }
0xb8: {  	_ =	sfence  }
0xb9: {  	s30 =	sld [smem:$0x0];
	_ =	sdelay $0x2  }
0xba: {  	s31 =	sshll.u32 s1, $0xD;
	s1 =	sshrl.u32 s1, $0x2  }
0xbb: {  	s3 =	sand.u32 $0x4000, s31;
	s1 =	sadd.s32 s1, s30  }
0xbc: {  	s0 =	sor.u32 s3, s0;
	s1 =	sshll.u32 s1, $0x11  }
0xbd: {  	s0 =	sor.u32 s1, s0  }
0xbe: {  	s0 =	sadd.s32 $0x8F2B, s0  }
0xbf: {  	[sflag:s0] =	ssyncadd.remote.s32 $0x1  }
0xc0: {  	_ =	sfence.sel $0xFFFF  }
0xc1: {  	[dreg:$0x0] =	wrdreg $0xFFFFFFFF;
	(pc) =	sbr.abs _section_cstart, $3  }
0xc2: {  	[dreg:$0x1] =	wrdreg $0xFFFFFFFF  }
0xc3: {  	_ =	task.clear_ibuf [dreg:s8], $0x2FFFF;
	_ =	strace $0x9FFFFFFF  }
0xc4: {  	(tm) =	ssettm $0x7FFFFFFF  }
0xc5: {  	_ =	shalt  }
tec
execute0_lowered:
.L_overlay_start_1:
0x0: {  	(tag) =	ssettag $0x1  }
0x1: {  	s4 =	rddreg [dreg:$0x0]  }
0x2: {  	s5 =	rddreg [dreg:$0x1]  }
0x3: {  	s6 =	rddreg [dreg:$0x2]  }
0x4: {  	s0 =	rddreg [dreg:$0x3];
	s3 =	srdreg.scid  }
0x5: {  	s1 =	stileid.u32;
	s2 =	simm.s32 $0x0;
	s10 =	simm.s32 $0x1  }
0x6: {  	s11 =	simm.s32 $0x18200;
	s3 =	sand.u32 $0x1, s3;
	s7 =	sshll.u32 s1, $0x1  }
0x7: {  	s12 =	simm.s32 $0x0;
	[smem:$0x7FF] =	sst s2;
	s7 =	sor.u32 s3, s7  }
0x8: {  	_ =	strace $0x80000047;
	s9 =	ssub.s32 $0x2, s3;
	s3 =	sadd.s32 $0x400, s6  }
0x9: {  	s8 =	sshll.u32 s7, $0x4;
	s30 =	sshrl.u32 s9, $0x1;
	s31 =	sshll.u32 s7, $0x6  }
0xa: {  	s7 =	sshll.u32 s7, $0xC;
	s6 =	sadd.s32 s8, s6;
	s8 =	ssub.s32 s9, s30  }
0xb: {  	s4 =	sadd.s32 s4, s31;
	s5 =	sadd.s32 s5, s7;
	s9 =	simm.s32 $0x10200  }
0xc: {  	s6 =	sadd.s32 $0xF42800, s6;
	s7 =	smax.u32 s8, $0x1;
	s8 =	simm.s32 $0x2  }
.LBB2_1:
0xd: {  	[tilespmem:s2], [sflag:$0x2] =	stream.linear.gather [hbm4b:s4+s2], $0x200, $0x38;
	[tilespmem:$0x18280] =	vst v63  }
0xe: {  	_ =	swait.ge [sflag:s8], $0x200  }
0xf: {  	[sflag:s8] =	ssyncset.done $0x0  }
0x10: {  	s13 =	simm.s32 $0x0;
	s14 =	simm.s32 $0x0;
	[sflag:s8] =	ssyncadd.s32 $0xFFFFFE00  }
.LBB2_2:
0x11: {  	v0 =	vld [tilespmem:s13+$0x0];
	_ =	sdelay $0x4  }
0x12: {  	v1 =	vshrl.u32 v0, $0x3  }
0x13: {  	v0 =	vand.u32 $0x7, v0;
	v1 =	vshll.u32 v1, $0xA  }
0x14: {  	v0 =	vshll.u32 v0, $0x7;
	(v2sf) =	vpush v1, $0x0  }
0x15: {  	(v2sf) =	vpush v0, $0x0;
	_ =	sdelay $0x2  }
0x16: {  	(v2sf) =	vpush v1, $0x1  }
0x17: {  	(v2sf) =	vpush v0, $0x1;
	_ =	sdelay $0x2  }
0x18: {  	(v2sf) =	vpush v1, $0x2  }
0x19: {  	(v2sf) =	vpush v0, $0x2;
	_ =	sdelay $0x5  }
0x1a: {  	s15 =	spop (v2sf);
	(v2sf) =	vpush v1, $0x3  }
0x1b: {  	s16 =	spop (v2sf);
	(v2sf) =	vpush v0, $0x3;
	_ =	sdelay $0x2  }
0x1c: {  	s16 =	sor.u32 s16, s15;
	s29 =	spop (v2sf);
	(v2sf) =	vpush v1, $0x4  }
0x1d: {  	s15 =	sshra.s32 s14, $0x2;
	s16 =	sshrl.u32 s16, $0x3;
	s30 =	spop (v2sf);
	(v2sf) =	vpush v0, $0x4  }
0x1e: {  	s17 =	sadd.s32 $0x200, s15;
	s16 =	sadd.s32 s3, s16  }
0x1f: {  	[tilespmem:s17], [sflag:$0x1] =	stream.linear.gather [hbm4b:s16+s2], $0x80, $0x38;
	[tilespmem:$0x18280] =	vst v63  }
0x20: {  	s17 =	spop (v2sf);
	(v2sf) =	vpush v1, $0x5  }
0x21: {  	s18 =	spop (v2sf);
	(v2sf) =	vpush v0, $0x5;
	_ =	sdelay $0x5  }
0x22: {  	s16 =	sor.u32 s30, s29;
	s20 =	spop (v2sf);
	(v2sf) =	vpush v1, $0x6  }
0x23: {  	s16 =	sshrl.u32 s16, $0x3;
	s21 =	spop (v2sf);
	(v2sf) =	vpush v0, $0x6  }
0x24: {  	s31 =	sadd.s32 $0x280, s15;
	s16 =	sadd.s32 s3, s16  }
0x25: {  	[tilespmem:s31], [sflag:$0x1] =	stream.linear.gather [hbm4b:s16+s2], $0x80, $0x38;
	[tilespmem:$0x18280] =	vst v63  }
0x26: {  	s16 =	sor.u32 s18, s17;
	s23 =	spop (v2sf);
	(v2sf) =	vpush v1, $0x7  }
0x27: {  	s16 =	sshrl.u32 s16, $0x3;
	s24 =	spop (v2sf);
	(v2sf) =	vpush v0, $0x7  }
0x28: {  	s19 =	sadd.s32 $0x300, s15;
	s16 =	sadd.s32 s3, s16  }
0x29: {  	[tilespmem:s19], [sflag:$0x1] =	stream.linear.gather [hbm4b:s16+s2], $0x80, $0x38;
	[tilespmem:$0x18280] =	vst v63  }
0x2a: {  	s26 =	spop (v2sf);
	(v2sf) =	vpush v1, $0x8  }
0x2b: {  	s28 =	spop (v2sf);
	(v2sf) =	vpush v0, $0x8  }
0x2c: {  	s16 =	sor.u32 s21, s20  }
0x2d: {  	s16 =	sshrl.u32 s16, $0x3  }
0x2e: {  	s22 =	sadd.s32 $0x380, s15;
	s16 =	sadd.s32 s3, s16  }
0x2f: {  	[tilespmem:s22], [sflag:$0x1] =	stream.linear.gather [hbm4b:s16+s2], $0x80, $0x38;
	[tilespmem:$0x18280] =	vst v63  }
0x30: {  	s16 =	sor.u32 s24, s23  }
0x31: {  	s16 =	sshrl.u32 s16, $0x3;
	s30 =	spop (v2sf);
	(v2sf) =	vpush v1, $0x9  }
0x32: {  	s25 =	sadd.s32 $0x400, s15;
	s16 =	sadd.s32 s3, s16;
	s31 =	spop (v2sf);
	(v2sf) =	vpush v0, $0x9  }
0x33: {  	[tilespmem:s25], [sflag:$0x1] =	stream.linear.gather [hbm4b:s16+s2], $0x80, $0x38;
	[tilespmem:$0x18280] =	vst v63  }
0x34: {  	s16 =	sor.u32 s28, s26  }
0x35: {  	s16 =	sshrl.u32 s16, $0x3;
	s19 =	spop (v2sf);
	(v2sf) =	vpush v1, $0xA  }
0x36: {  	s29 =	sadd.s32 $0x480, s15;
	s16 =	sadd.s32 s3, s16;
	s20 =	spop (v2sf);
	(v2sf) =	vpush v0, $0xA  }
0x37: {  	[tilespmem:s29], [sflag:$0x1] =	stream.linear.gather [hbm4b:s16+s2], $0x80, $0x38;
	[tilespmem:$0x18280] =	vst v63  }
0x38: {  	s16 =	sor.u32 s31, s30  }
0x39: {  	s16 =	sshrl.u32 s16, $0x3;
	s22 =	spop (v2sf);
	(v2sf) =	vpush v1, $0xB  }
0x3a: {  	s18 =	sadd.s32 $0x500, s15;
	s16 =	sadd.s32 s3, s16;
	s23 =	spop (v2sf);
	(v2sf) =	vpush v0, $0xB  }
0x3b: {  	[tilespmem:s18], [sflag:$0x1] =	stream.linear.gather [hbm4b:s16+s2], $0x80, $0x38;
	[tilespmem:$0x18280] =	vst v63  }
0x3c: {  	s16 =	sor.u32 s20, s19  }
0x3d: {  	s16 =	sshrl.u32 s16, $0x3  }
0x3e: {  	s21 =	sadd.s32 $0x580, s15;
	s16 =	sadd.s32 s3, s16  }
0x3f: {  	[tilespmem:s21], [sflag:$0x1] =	stream.linear.gather [hbm4b:s16+s2], $0x80, $0x38;
	[tilespmem:$0x18280] =	vst v63  }
0x40: {  	s16 =	sor.u32 s23, s22;
	s25 =	spop (v2sf);
	(v2sf) =	vpush v1, $0xC  }
0x41: {  	s16 =	sshrl.u32 s16, $0x3;
	s26 =	spop (v2sf);
	(v2sf) =	vpush v0, $0xC  }
0x42: {  	s24 =	sadd.s32 $0x600, s15;
	s16 =	sadd.s32 s3, s16  }
0x43: {  	[tilespmem:s24], [sflag:$0x1] =	stream.linear.gather [hbm4b:s16+s2], $0x80, $0x38;
	[tilespmem:$0x18280] =	vst v63  }
0x44: {  	s16 =	sor.u32 s26, s25;
	s29 =	spop (v2sf);
	(v2sf) =	vpush v1, $0xD  }
0x45: {  	s16 =	sshrl.u32 s16, $0x3;
	s30 =	spop (v2sf);
	(v2sf) =	vpush v0, $0xD  }
0x46: {  	s28 =	sadd.s32 $0x680, s15;
	s16 =	sadd.s32 s3, s16  }
0x47: {  	[tilespmem:s28], [sflag:$0x1] =	stream.linear.gather [hbm4b:s16+s2], $0x80, $0x38;
	[tilespmem:$0x18280] =	vst v63  }
0x48: {  	s17 =	spop (v2sf);
	(v2sf) =	vpush v1, $0xE  }
0x49: {  	s18 =	spop (v2sf);
	(v2sf) =	vpush v0, $0xE  }
0x4a: {  	s16 =	sor.u32 s30, s29  }
0x4b: {  	s16 =	sshrl.u32 s16, $0x3  }
0x4c: {  	s31 =	sadd.s32 $0x700, s15;
	s16 =	sadd.s32 s3, s16  }
0x4d: {  	[tilespmem:s31], [sflag:$0x1] =	stream.linear.gather [hbm4b:s16+s2], $0x80, $0x38;
	[tilespmem:$0x18280] =	vst v63  }
0x4e: {  	s16 =	sor.u32 s18, s17  }
0x4f: {  	s16 =	sshrl.u32 s16, $0x3;
	s20 =	spop (v2sf);
	(v2sf) =	vpush v1, $0xF  }
0x50: {  	s19 =	sadd.s32 $0x780, s15;
	s16 =	sadd.s32 s3, s16;
	s21 =	spop (v2sf);
	(v2sf) =	vpush v0, $0xF  }
0x51: {  	[tilespmem:s19], [sflag:$0x1] =	stream.linear.gather [hbm4b:s16+s2], $0x80, $0x38;
	[tilespmem:$0x18280] =	vst v63  }
0x52: {  	s16 =	sor.u32 s21, s20  }
0x53: {  	s23 =	spop (v2sf);
	s16 =	sshrl.u32 s16, $0x3  }
0x54: {  	s22 =	sadd.s32 $0x800, s15;
	s24 =	spop (v2sf);
	s16 =	sadd.s32 s3, s16  }
0x55: {  	[tilespmem:s22], [sflag:$0x1] =	stream.linear.gather [hbm4b:s16+s2], $0x80, $0x38;
	[tilespmem:$0x18280] =	vst v63  }
0x56: {  	s16 =	sor.u32 s24, s23  }
0x57: {  	s26 =	spop (v2sf);
	s16 =	sshrl.u32 s16, $0x3  }
0x58: {  	s25 =	sadd.s32 $0x880, s15;
	s28 =	spop (v2sf);
	s16 =	sadd.s32 s3, s16  }
0x59: {  	[tilespmem:s25], [sflag:$0x1] =	stream.linear.gather [hbm4b:s16+s2], $0x80, $0x38;
	[tilespmem:$0x18280] =	vst v63  }
0x5a: {  	s16 =	sor.u32 s28, s26  }
0x5b: {  	s16 =	sshrl.u32 s16, $0x3  }
0x5c: {  	s29 =	sadd.s32 $0x900, s15;
	s16 =	sadd.s32 s3, s16  }
0x5d: {  	[tilespmem:s29], [sflag:$0x1] =	stream.linear.gather [hbm4b:s16+s2], $0x80, $0x38;
	[tilespmem:$0x18280] =	vst v63  }
0x5e: {  	p0 =	sne.s32 s14, $0x3E000;
	s30 =	spop (v2sf)  }
.Ltmp0:
0x5f: {  	s31 =	spop (v2sf);
	(pc) =	sbr.rel @p0 .LBB2_2-.Ltmp0, $4  }
0x60: {  	s16 =	sor.u32 s31, s30  }
0x61: {  	s13 =	sadd.s32 $0x10, s13;
	s16 =	sshrl.u32 s16, $0x3  }
0x62: {  	s14 =	sadd.s32 $0x2000, s14;
	s15 =	sadd.s32 $0x980, s15;
	s16 =	sadd.s32 s3, s16  }
0x63: {  	[tilespmem:s15], [sflag:$0x1] =	stream.linear.gather [hbm4b:s16+s2], $0x80, $0x38;
	[tilespmem:$0x18280] =	vst v63  }
0x64: {  	s13 =	simm.s32 $0x0  }
0x65: {  	[tilespmem:s9], [sflag:$0x2] =	stream.linear.gather [hbm4b:s5+s13], $0x8000, $0x38;
	[tilespmem:$0x18280] =	vst v63  }
0x66: {  	_ =	swait.ge [sflag:s8], $0x8000  }
0x67: {  	[sflag:s8] =	ssyncset.done $0x0  }
0x68: {  	[sflag:s8] =	ssyncadd.s32 $0xFFFF8000  }
0x69: {  	_ =	swait.ge [sflag:s10], $0x10000  }
0x6a: {  	[sflag:s10] =	ssyncset.done $0x0  }
0x6b: {  	s31 =	simm.s32 $0x220;
	[sflag:s10] =	ssyncadd.s32 $0xFFFF0000  }
0x6c: {  	s14 =	simm.s32 $0x0;
	v0 =	vld [tilespmem:s31+$0xFFFFFFE0]  }
0x6d: {  	v2 =	vld [tilespmem:s14+$0x10200]  }
0x6e: {  	v7 =	vld [tilespmem:s31+$0xFFFFFFF0]  }
0x6f: {  	v8 =	vld [tilespmem:s14+$0x10210]  }
0x70: {  	v1 =	vld [tilespmem:s31+$0x0]  }
0x71: {  	v3 =	vld [tilespmem:s14+$0x10220]  }
0x72: {  	v6 =	vsub.f32 v2, v0;
	v0 =	vld [tilespmem:s31+$0x10]  }
0x73: {  	s13 =	simm.s32 $0x2A0;
	v2 =	vld [tilespmem:s14+$0x10230]  }
0x74: {  	v5 =	vimm.f32 $0.0e+00;
	s15 =	simm.s32 $0x200;
	v4 =	vld [tilespmem:s13+$0xFFFFFFE0];
	s14 =	simm.s32 $0x40;
	v7 =	vsub.f32 v8, v7;
	v6 =	vmul.f32 v6, v6  }
.LBB2_4:
0x75: {  	p0 =	sne.s32 s15, $0x1FF00;
	v8 =	vld [tilespmem:s14+$0x10200]  }
0x76: {  	v9 =	vld [tilespmem:s13+$0xFFFFFFF0];
	v5 =	vadd.f32 v6, v5;
	v6 =	vmul.f32 v7, v7;
	v3 =	vsub.f32 v3, v1  }
0x77: {  	v7 =	vld [tilespmem:s14+$0x10210]  }
.Ltmp1:
0x78: {  	v1 =	vld [tilespmem:s13+$0x0];
	v5 =	vadd.f32 v6, v5;
	v6 =	vmul.f32 v3, v3;
	v2 =	vsub.f32 v2, v0;
	(pc) =	sbr.rel @p0 .LBB2_4-.Ltmp1, $4  }
0x79: {  	v3 =	vld [tilespmem:s14+$0x10220]  }
0x7a: {  	v8 =	vsub.f32 v8, v4;
	v0 =	vld [tilespmem:s13+$0x10];
	v5 =	vadd.f32 v6, v5;
	v10 =	vmul.f32 v2, v2  }
0x7b: {  	s13 =	sadd.s32 $0x80, s13;
	v2 =	vld [tilespmem:s14+$0x10230]  }
0x7c: {  	s14 =	sshra.s32 s15, $0x2;
	s15 =	sadd.s32 $0x100, s15;
	v4 =	vld [tilespmem:s13+$0xFFFFFFE0];
	v6 =	vmul.f32 v8, v8;
	v7 =	vsub.f32 v7, v9;
	v5 =	vadd.f32 v10, v5  }
0x7d: {  	v8 =	vld [tilespmem:s14+$0x10200]  }
0x7e: {  	v9 =	vld [tilespmem:s13+$0xFFFFFFF0];
	v5 =	vadd.f32 v6, v5;
	v54 =	vmul.f32 v7, v7;
	v1 =	vsub.f32 v3, v1  }
0x7f: {  	v55 =	vld [tilespmem:s14+$0x10210]  }
0x80: {  	v56 =	vld [tilespmem:s13+$0x0];
	v5 =	vadd.f32 v54, v5;
	v1 =	vmul.f32 v1, v1;
	v0 =	vsub.f32 v2, v0  }
0x81: {  	v57 =	vld [tilespmem:s14+$0x10220]  }
0x82: {  	v58 =	vld [tilespmem:s13+$0x10];
	v4 =	vsub.f32 v8, v4;
	v1 =	vadd.f32 v1, v5;
	v0 =	vmul.f32 v0, v0  }
0x83: {  	v59 =	vld [tilespmem:s14+$0x10230]  }
0x84: {  	v3 =	vsub.f32 v55, v9;
	v4 =	vmul.f32 v4, v4;
	v0 =	vadd.f32 v0, v1;
	_ =	sdelay $0x1  }
0x85: {  	v2 =	vsub.f32 v57, v56;
	v60 =	vmul.f32 v3, v3;
	v0 =	vadd.f32 v4, v0;
	_ =	sdelay $0x1  }
0x86: {  	v62 =	vsub.f32 v59, v58;
	v61 =	vmul.f32 v2, v2;
	v0 =	vadd.f32 v60, v0;
	_ =	sdelay $0x1  }
0x87: {  	v63 =	vmul.f32 v62, v62;
	v0 =	vadd.f32 v61, v0;
	_ =	sdelay $0x1  }
0x88: {  	s12 =	sadd.s32 $0x1, s12;
	v0 =	vadd.f32 v63, v0  }
0x89: {  	p0 =	sne.s32 s12, s7  }
.Ltmp2:
0x8a: {  	[tilespmem:$0x18200] =	vst v0;
	(pc) =	sbr.rel @p0 .LBB2_1-.Ltmp2, $4  }
0x8b: {  	[hbm4b:s6+s2] =	stream.linear.scatter [tilespmem:s11], [sflag:$0x2], $0x80, $0x38;
	[tilespmem:$0x18280] =	vst v63  }
0x8c: {  	_ =	swait.ge [sflag:s8], $0x80  }
0x8d: {  	[sflag:s8] =	ssyncset.done $0x0  }
0x8e: {  	[sflag:s8] =	ssyncadd.s32 $0xFFFFFF80  }
0x8f: {  	_ =	sfence.sel $0x180000  }
0x90: {  	[bflag:$0x0] =	sbarrier.arrive $0xFFFF  }
0x91: {  	p0 =	sne.s32 s1, $0x0;
	_ =	strace $0x90000047  }
0x92: {  	s0 =	sadd.s32 @!p0 $0x100000, s0;
	[bflag:$0x2] =	sbarrier.arrive $0xFFFF  }
0x93: {  	[sflag:s0] =	ssyncadd.tile.s32 @!p0 $0x1;
	_ =	shalt  }
.Lfunc_end2:
_tile_overlayer_lowered:
.L_overlay_start_2:
0x94: {  	(tag) =	ssettag $0x2  }
0x95: {  	s0 =	rddreg [dreg:$0x0];
	s2 =	stileid.u32  }
0x96: {  	s1 =	rddreg [dreg:$0x1];
	p0 =	sne.s32 s2, $0x0  }
0x97: {  	s3 =	rddreg [dreg:$0x2];
	[bflag:$0x3] =	sbarrier.arrive $0xFFFF;
	s2 =	simm.s32 @!p0 $0x1C02  }
0x98: {  	[timem:s3], [sflag:s2] =	dma.local @!p0 [hbm:s0], s1  }
0x99: {  	s0 =	simm.s32 @!p0 $0x2  }
0x9a: {  	_ =	swait.ge @!p0 [sflag:s0], s1  }
0x9b: {  	s1 =	ssub.s32 @!p0 $0x0, s1;
	[sflag:s0] =	ssyncset.done @!p0 $0x0  }
0x9c: {  	[sflag:s0] =	ssyncadd.s32 @!p0 s1  }
0x9d: {  	[bflag:$0x3] =	sbarrier.arrive $0xFFFF  }
0x9e: {  	_ =	shalt  }

</sc_bundles>
